<compile_context>
chip_gen: v7x
topology: tpu7x:2x2x1
jax: 0.10.2.dev20260603
libtpu: 0.0.44.dev20260713+nightly
codegen_flags: <defaults>
</compile_context>

<pallas_src>
import functools

import jax
import jax.numpy as jnp
from jax import lax
from jax.experimental import pallas as pl
from jax.experimental.pallas import tpu as pltpu
from jax.experimental.pallas import tpu_sc as plsc

N_ITEMS = 819200
EMBED_DIM = 128
CACHE_SIZE = 8192

NUM_CORES = 2
NUM_SUBCORES = 16
NW = NUM_CORES * NUM_SUBCORES

B_PER_W = N_ITEMS // NW
CHUNK = 100
NG = 2
WROWS = NG * CHUNK
GROUPS = B_PER_W // WROWS
NBUF = 2
ROWS_PER_STAGER = CACHE_SIZE // NUM_SUBCORES


def _gather_body(items_hbm, table_hbm, out_hbm, idx_r, rows0, rows1,
                 table_sp, isem, ssem, gsem, wsem0, wsem1):
    cid = lax.axis_index("c")
    sid = lax.axis_index("s")
    wid = cid * NUM_SUBCORES + sid
    rows = (rows0, rows1)
    wsem = (wsem0, wsem1)

    ibase = wid * GROUPS * NG
    base = wid * B_PER_W

    pltpu.async_copy(items_hbm.at[pl.ds(ibase, NG)], idx_r.at[0], isem)
    pltpu.async_copy(
        table_hbm.at[pl.ds(sid * ROWS_PER_STAGER, ROWS_PER_STAGER)],
        table_sp.at[pl.ds(sid * ROWS_PER_STAGER, ROWS_PER_STAGER)],
        ssem,
    )

    def group_step(g, b, src, drain_write):
        pltpu.make_async_copy(
            items_hbm.at[pl.ds(ibase, NG)], idx_r.at[b], isem
        ).wait()

        def _prefetch():
            pltpu.async_copy(
                items_hbm.at[pl.ds(ibase + (g + 1) * NG, NG)],
                idx_r.at[(b + 1) % NBUF],
                isem,
            )

        if isinstance(g, int):
            if g + 1 < GROUPS:
                _prefetch()
        else:
            pl.when(g + 1 < GROUPS)(_prefetch)

        if drain_write:
            pltpu.make_async_copy(
                rows[b], out_hbm.at[pl.ds(base, WROWS)], wsem[b]
            ).wait()

        for k in range(NG):
            pltpu.async_copy(
                src.at[idx_r.at[b].at[k]],
                rows[b].at[pl.ds(k * CHUNK, CHUNK)],
                gsem,
            )
        pltpu.make_async_copy(
            table_hbm.at[pl.ds(0, WROWS)], rows[b], gsem
        ).wait()
        pltpu.async_copy(
            rows[b], out_hbm.at[pl.ds(base + g * WROWS, WROWS)], wsem[b]
        )

    for b in range(NBUF):
        group_step(b, b, table_hbm, drain_write=False)

    pltpu.make_async_copy(
        table_hbm.at[pl.ds(0, ROWS_PER_STAGER)],
        table_sp.at[pl.ds(0, ROWS_PER_STAGER)],
        ssem,
    ).wait()
    plsc.subcore_barrier()

    def super_group(sg, _):
        for b in range(NBUF):
            group_step(sg * NBUF + b, b, table_sp, drain_write=True)
        return ()

    lax.fori_loop(1, GROUPS // NBUF, super_group, (), unroll=False)
    for b in range(NBUF):
        pltpu.make_async_copy(
            rows[b], out_hbm.at[pl.ds(base, WROWS)], wsem[b]
        ).wait()


def _make_gather():
    mesh = plsc.VectorSubcoreMesh(core_axis_name="c", subcore_axis_name="s")
    return pl.kernel(
        _gather_body,
        mesh=mesh,
        out_type=jax.ShapeDtypeStruct((N_ITEMS, EMBED_DIM), jnp.float32),
        scratch_types=[
            pltpu.VMEM((NBUF, NG, CHUNK), jnp.int32),
            pltpu.VMEM((WROWS, EMBED_DIM), jnp.float32),
            pltpu.VMEM((WROWS, EMBED_DIM), jnp.float32),
            pltpu.VMEM_SHARED((CACHE_SIZE, EMBED_DIM), jnp.float32),
            pltpu.SemaphoreType.DMA,
            pltpu.SemaphoreType.DMA,
            pltpu.SemaphoreType.DMA,
            pltpu.SemaphoreType.DMA,
            pltpu.SemaphoreType.DMA,
        ],
    )


_gather = _make_gather()


@jax.jit
def kernel(items, embed):
    items = items.astype(jnp.int32).reshape(NW * GROUPS * NG, CHUNK)
    embed = embed.astype(jnp.float32)
    return _gather(items, embed)

# --- scband reference (transcript-rebuilt; emitter-appended) ---
"""Pipeline reference for scband-sin-cos-position-embed1-d-2508260901542 (READ-ONLY COPY).

The authoritative reference and input builder live on the scoring server;
editing this copy changes nothing except your own understanding.
"""

import jax, jax.numpy as jnp
import numpy as np
import math

EMBED_DIM = 128
MAX_PERIOD = 10000
STEP = 1
FLIP = False
CACHE_SIZE = 8192
N_ITEMS = 819200


def cal_1d_sincos_embed(items, embed_dim, max_period=10000, step=1, flip=False):
    half_of_dim = embed_dim // 2
    freqs = jnp.arange(0, half_of_dim, step, dtype=jnp.float32)
    freqs = jnp.exp(-math.log(max_period) * freqs / half_of_dim)
    freqs = items[:, None].astype(jnp.float32) * freqs[None, :]
    cos, sin = jnp.cos(freqs), jnp.sin(freqs)
    if flip:
        embed = jnp.concatenate([cos, sin], axis=-1)
    else:
        embed = jnp.concatenate([sin, cos], axis=-1)
    return embed


def setup_inputs(seed: int = 0) -> dict:
    key = jax.random.key(seed)
    items = jax.random.randint(key, (N_ITEMS,), 0, CACHE_SIZE)
    # Precomputed cache buffer (registered buffer 'embed' in the torch module)
    cache_items = jnp.arange(CACHE_SIZE)
    embed = cal_1d_sincos_embed(cache_items, EMBED_DIM, MAX_PERIOD, STEP, FLIP)
    return {"items": items, "embed": embed}


def reference(items, embed):
    # cache1d=True, items are ints with max < size, so the cached-gather path is taken:
    # embed = self.embed[items]
    out = jnp.take(embed, items, axis=0)
    return out

if __name__ == "__main__":
    import jax
    _d = setup_inputs()
    print(jax.jit(kernel)(*tuple(_d.values())))

</pallas_src>

<mosaic_0001>
#map = affine_map<(d0, d1) -> (0, 0)>
module attributes {stable_mosaic.version = 14 : i64} {
  func.func @_gather_body(%arg0: i32, %arg1: i32, %arg2: memref<8192x100xi32, #tpu.memory_space<hbm>>, %arg3: memref<8192x128xf32, #tpu.memory_space<hbm>>, %arg4: memref<819200x128xf32, #tpu.memory_space<hbm>>, %arg5: memref<2x2x100xi32, #tpu.memory_space<vmem>>, %arg6: memref<200x128xf32, #tpu.memory_space<vmem>>, %arg7: memref<200x128xf32, #tpu.memory_space<vmem>>, %arg8: memref<8192x128xf32, #tpu.memory_space<vmem_shared>>, %arg9: memref<!tpu.dma_semaphore, #tpu.memory_space<semaphore_mem>>, %arg10: memref<!tpu.dma_semaphore, #tpu.memory_space<semaphore_mem>>, %arg11: memref<!tpu.dma_semaphore, #tpu.memory_space<semaphore_mem>>, %arg12: memref<!tpu.dma_semaphore, #tpu.memory_space<semaphore_mem>>, %arg13: memref<!tpu.dma_semaphore, #tpu.memory_space<semaphore_mem>>) attributes {dimension_semantics = [#tpu.dimension_semantics<core_parallel>, #tpu.dimension_semantics<subcore_parallel>], iteration_bounds = array<i64: 2, 16>, scalar_prefetch = 0 : i64, scratch_operands = 9 : i64, tpu.core_type = #tpu.core_type<sc_vector_subcore>, window_params = [{transform_indices = #map}, {transform_indices = #map}, {transform_indices = #map}]} {
    %mul3A = arith.constant 16 : i32
    %mul3A_0 = arith.muli %arg0, %mul3A : i32
    %add3A = arith.addi %mul3A_0, %arg1 : i32
    %mul3A_1 = arith.constant 128 : i32
    %mul3A_2 = arith.muli %add3A, %mul3A_1 : i32
    %mul3A_3 = arith.constant 2 : i32
    %mul3A_4 = arith.muli %mul3A_2, %mul3A_3 : i32
    %mul3A_5 = arith.constant 25600 : i32
    %mul3A_6 = arith.muli %add3A, %mul3A_5 : i32
    %dma_start3A = arith.constant 0 : i32
    %dma_start3A_7 = arith.constant 0 : i32
    %dma_start3A_8 = arith.constant 0 : i32
    %dma_start3A_9 = tpu.memref_slice %arg5[%dma_start3A, %dma_start3A_7, %dma_start3A_8] : memref<2x2x100xi32, #tpu.memory_space<vmem>> -> memref<1x2x100xi32, #tpu.memory_space<vmem>>
    %dma_start3A_10 = tpu.memref_squeeze %dma_start3A_9 : memref<1x2x100xi32, #tpu.memory_space<vmem>> -> memref<2x100xi32, #tpu.memory_space<vmem>>
    %dma_start3A_11 = arith.constant 0 : i32
    %dma_start3A_12 = tpu.memref_slice %arg2[%mul3A_4, %dma_start3A_11] : memref<8192x100xi32, #tpu.memory_space<hbm>> -> memref<2x100xi32, #tpu.memory_space<hbm>>
    %dma_start3A_13 = arith.constant 0 : i32
    %dma_start3A_14 = arith.constant 0 : i32
    %dma_start3A_15 = tpu.memref_slice %arg5[%dma_start3A, %dma_start3A_13, %dma_start3A_14] : memref<2x2x100xi32, #tpu.memory_space<vmem>> -> memref<1x2x100xi32, #tpu.memory_space<vmem>>
    %dma_start3A_16 = tpu.memref_squeeze %dma_start3A_15 : memref<1x2x100xi32, #tpu.memory_space<vmem>> -> memref<2x100xi32, #tpu.memory_space<vmem>>
    %dma_start3A_17 = arith.constant 0 : i32
    %dma_start3A_18 = tpu.memref_slice %arg2[%mul3A_4, %dma_start3A_17] : memref<8192x100xi32, #tpu.memory_space<hbm>> -> memref<2x100xi32, #tpu.memory_space<hbm>>
    tpu.enqueue_dma source(%dma_start3A_18 : memref<2x100xi32, #tpu.memory_space<hbm>>) target(%dma_start3A_16 : memref<2x100xi32, #tpu.memory_space<vmem>>) target_semaphore(%arg9 : memref<!tpu.dma_semaphore, #tpu.memory_space<semaphore_mem>>)
    %mul3A_19 = arith.constant 512 : i32
    %mul3A_20 = arith.muli %arg1, %mul3A_19 : i32
    %mul3A_21 = arith.constant 512 : i32
    %mul3A_22 = arith.muli %arg1, %mul3A_21 : i32
    %dma_start3A_23 = arith.constant 0 : i32
    %dma_start3A_24 = tpu.memref_slice %arg8[%mul3A_22, %dma_start3A_23] : memref<8192x128xf32, #tpu.memory_space<vmem_shared>> -> memref<512x128xf32, #tpu.memory_space<vmem_shared>>
    %dma_start3A_25 = arith.constant 0 : i32
    %dma_start3A_26 = tpu.memref_slice %arg3[%mul3A_20, %dma_start3A_25] : memref<8192x128xf32, #tpu.memory_space<hbm>> -> memref<512x128xf32, #tpu.memory_space<hbm>>
    tpu.enqueue_dma source(%dma_start3A_26 : memref<512x128xf32, #tpu.memory_space<hbm>>) target(%dma_start3A_24 : memref<512x128xf32, #tpu.memory_space<vmem_shared>>) target_semaphore(%arg10 : memref<!tpu.dma_semaphore, #tpu.memory_space<semaphore_mem>>)
    %dma_wait3A = arith.constant 0 : i32
    %dma_wait3A_27 = arith.constant 0 : i32
    %dma_wait3A_28 = arith.constant 0 : i32
    %dma_wait3A_29 = tpu.memref_slice %arg5[%dma_wait3A, %dma_wait3A_27, %dma_wait3A_28] : memref<2x2x100xi32, #tpu.memory_space<vmem>> -> memref<1x2x100xi32, #tpu.memory_space<vmem>>
    %dma_wait3A_30 = tpu.memref_squeeze %dma_wait3A_29 : memref<1x2x100xi32, #tpu.memory_space<vmem>> -> memref<2x100xi32, #tpu.memory_space<vmem>>
    %dma_wait3A_31 = arith.constant 0 : i32
    %dma_wait3A_32 = tpu.memref_slice %arg2[%mul3A_4, %dma_wait3A_31] : memref<8192x100xi32, #tpu.memory_space<hbm>> -> memref<2x100xi32, #tpu.memory_space<hbm>>
    %dma_wait3A_33 = arith.constant 0 : i32
    %dma_wait3A_34 = arith.constant 0 : i32
    %dma_wait3A_35 = tpu.memref_slice %arg5[%dma_wait3A, %dma_wait3A_33, %dma_wait3A_34] : memref<2x2x100xi32, #tpu.memory_space<vmem>> -> memref<1x2x100xi32, #tpu.memory_space<vmem>>
    %dma_wait3A_36 = tpu.memref_squeeze %dma_wait3A_35 : memref<1x2x100xi32, #tpu.memory_space<vmem>> -> memref<2x100xi32, #tpu.memory_space<vmem>>
    %dma_wait3A_37 = arith.constant 0 : i32
    %dma_wait3A_38 = tpu.memref_slice %arg2[%mul3A_4, %dma_wait3A_37] : memref<8192x100xi32, #tpu.memory_space<hbm>> -> memref<2x100xi32, #tpu.memory_space<hbm>>
    tpu.wait_dma2 semaphore(%arg9 : memref<!tpu.dma_semaphore, #tpu.memory_space<semaphore_mem>>) src(%dma_wait3A_38 : memref<2x100xi32, #tpu.memory_space<hbm>>) dst(%dma_wait3A_36 : memref<2x100xi32, #tpu.memory_space<vmem>>)
    %add3A_39 = arith.constant 2 : i32
    %add3A_40 = arith.addi %mul3A_4, %add3A_39 : i32
    %dma_start3A_41 = arith.constant 1 : i32
    %dma_start3A_42 = arith.constant 0 : i32
    %dma_start3A_43 = arith.constant 0 : i32
    %dma_start3A_44 = tpu.memref_slice %arg5[%dma_start3A_41, %dma_start3A_42, %dma_start3A_43] : memref<2x2x100xi32, #tpu.memory_space<vmem>> -> memref<1x2x100xi32, #tpu.memory_space<vmem>>
    %dma_start3A_45 = tpu.memref_squeeze %dma_start3A_44 : memref<1x2x100xi32, #tpu.memory_space<vmem>> -> memref<2x100xi32, #tpu.memory_space<vmem>>
    %dma_start3A_46 = arith.constant 0 : i32
    %dma_start3A_47 = tpu.memref_slice %arg2[%add3A_40, %dma_start3A_46] : memref<8192x100xi32, #tpu.memory_space<hbm>> -> memref<2x100xi32, #tpu.memory_space<hbm>>
    %dma_start3A_48 = arith.constant 0 : i32
    %dma_start3A_49 = arith.constant 0 : i32
    %dma_start3A_50 = tpu.memref_slice %arg5[%dma_start3A_41, %dma_start3A_48, %dma_start3A_49] : memref<2x2x100xi32, #tpu.memory_space<vmem>> -> memref<1x2x100xi32, #tpu.memory_space<vmem>>
    %dma_start3A_51 = tpu.memref_squeeze %dma_start3A_50 : memref<1x2x100xi32, #tpu.memory_space<vmem>> -> memref<2x100xi32, #tpu.memory_space<vmem>>
    %dma_start3A_52 = arith.constant 0 : i32
    %dma_start3A_53 = tpu.memref_slice %arg2[%add3A_40, %dma_start3A_52] : memref<8192x100xi32, #tpu.memory_space<hbm>> -> memref<2x100xi32, #tpu.memory_space<hbm>>
    tpu.enqueue_dma source(%dma_start3A_53 : memref<2x100xi32, #tpu.memory_space<hbm>>) target(%dma_start3A_51 : memref<2x100xi32, #tpu.memory_space<vmem>>) target_semaphore(%arg9 : memref<!tpu.dma_semaphore, #tpu.memory_space<semaphore_mem>>)
    %dma_start3A_54 = arith.constant 0 : i32
    %dma_start3A_55 = arith.constant 0 : i32
    %dma_start3A_56 = arith.constant 0 : i32
    %dma_start3A_57 = arith.constant 0 : i32
    %dma_start3A_58 = tpu.memref_slice %arg6[%dma_start3A_56, %dma_start3A_57] : memref<200x128xf32, #tpu.memory_space<vmem>> -> memref<100x128xf32, #tpu.memory_space<vmem>>
    %dma_start3A_59 = arith.constant 0 : i32
    %dma_start3A_60 = arith.constant 0 : i32
    %dma_start3A_61 = tpu.memref_slice %arg5[%dma_start3A_54, %dma_start3A_59, %dma_start3A_60] : memref<2x2x100xi32, #tpu.memory_space<vmem>> -> memref<1x2x100xi32, #tpu.memory_space<vmem>>
    %dma_start3A_62 = tpu.memref_squeeze %dma_start3A_61 : memref<1x2x100xi32, #tpu.memory_space<vmem>> -> memref<2x100xi32, #tpu.memory_space<vmem>>
    %dma_start3A_63 = arith.constant 0 : i32
    %dma_start3A_64 = tpu.memref_slice %dma_start3A_62[%dma_start3A_55, %dma_start3A_63] : memref<2x100xi32, #tpu.memory_space<vmem>> -> memref<1x100xi32, #tpu.memory_space<vmem>>
    %dma_start3A_65 = tpu.memref_squeeze %dma_start3A_64 : memref<1x100xi32, #tpu.memory_space<vmem>> -> memref<100xi32, #tpu.memory_space<vmem>>
    %dma_start3A_66 = arith.constant 0 : i32
    %dma_start3A_67 = arith.constant 0 : i32
    %dma_start3A_68 = tpu.memref_slice %arg3[%dma_start3A_66, %dma_start3A_67] : memref<8192x128xf32, #tpu.memory_space<hbm>> -> memref<8192x128xf32, #tpu.memory_space<hbm>>
    tpu.enqueue_indirect_dma source(%dma_start3A_68 : memref<8192x128xf32, #tpu.memory_space<hbm>>) target(%dma_start3A_58 : memref<100x128xf32, #tpu.memory_space<vmem>>) offsets(%dma_start3A_65 : memref<100xi32, #tpu.memory_space<vmem>>) semaphore(%arg11 : memref<!tpu.dma_semaphore, #tpu.memory_space<semaphore_mem>>)
    %dma_start3A_69 = arith.constant 0 : i32
    %dma_start3A_70 = arith.constant 1 : i32
    %dma_start3A_71 = arith.constant 100 : i32
    %dma_start3A_72 = arith.constant 0 : i32
    %dma_start3A_73 = tpu.memref_slice %arg6[%dma_start3A_71, %dma_start3A_72] : memref<200x128xf32, #tpu.memory_space<vmem>> -> memref<100x128xf32, #tpu.memory_space<vmem>>
    %dma_start3A_74 = arith.constant 0 : i32
    %dma_start3A_75 = arith.constant 0 : i32
    %dma_start3A_76 = tpu.memref_slice %arg5[%dma_start3A_69, %dma_start3A_74, %dma_start3A_75] : memref<2x2x100xi32, #tpu.memory_space<vmem>> -> memref<1x2x100xi32, #tpu.memory_space<vmem>>
    %dma_start3A_77 = tpu.memref_squeeze %dma_start3A_76 : memref<1x2x100xi32, #tpu.memory_space<vmem>> -> memref<2x100xi32, #tpu.memory_space<vmem>>
    %dma_start3A_78 = arith.constant 0 : i32
    %dma_start3A_79 = tpu.memref_slice %dma_start3A_77[%dma_start3A_70, %dma_start3A_78] : memref<2x100xi32, #tpu.memory_space<vmem>> -> memref<1x100xi32, #tpu.memory_space<vmem>>
    %dma_start3A_80 = tpu.memref_squeeze %dma_start3A_79 : memref<1x100xi32, #tpu.memory_space<vmem>> -> memref<100xi32, #tpu.memory_space<vmem>>
    %dma_start3A_81 = arith.constant 0 : i32
    %dma_start3A_82 = arith.constant 0 : i32
    %dma_start3A_83 = tpu.memref_slice %arg3[%dma_start3A_81, %dma_start3A_82] : memref<8192x128xf32, #tpu.memory_space<hbm>> -> memref<8192x128xf32, #tpu.memory_space<hbm>>
    tpu.enqueue_indirect_dma source(%dma_start3A_83 : memref<8192x128xf32, #tpu.memory_space<hbm>>) target(%dma_start3A_73 : memref<100x128xf32, #tpu.memory_space<vmem>>) offsets(%dma_start3A_80 : memref<100xi32, #tpu.memory_space<vmem>>) semaphore(%arg11 : memref<!tpu.dma_semaphore, #tpu.memory_space<semaphore_mem>>)
    %dma_wait3A_84 = arith.constant 0 : i32
    %dma_wait3A_85 = arith.constant 0 : i32
    %dma_wait3A_86 = tpu.memref_slice %arg3[%dma_wait3A_84, %dma_wait3A_85] : memref<8192x128xf32, #tpu.memory_space<hbm>> -> memref<200x128xf32, #tpu.memory_space<hbm>>
    %dma_wait3A_87 = arith.constant 0 : i32
    %dma_wait3A_88 = arith.constant 0 : i32
    %dma_wait3A_89 = tpu.memref_slice %arg3[%dma_wait3A_87, %dma_wait3A_88] : memref<8192x128xf32, #tpu.memory_space<hbm>> -> memref<200x128xf32, #tpu.memory_space<hbm>>
    tpu.wait_dma2 semaphore(%arg11 : memref<!tpu.dma_semaphore, #tpu.memory_space<semaphore_mem>>) src(%dma_wait3A_89 : memref<200x128xf32, #tpu.memory_space<hbm>>) dst(%arg6 : memref<200x128xf32, #tpu.memory_space<vmem>>)
    %add3A_90 = arith.constant 0 : i32
    %add3A_91 = arith.addi %mul3A_6, %add3A_90 : i32
    %dma_start3A_92 = arith.constant 0 : i32
    %dma_start3A_93 = tpu.memref_slice %arg4[%add3A_91, %dma_start3A_92] : memref<819200x128xf32, #tpu.memory_space<hbm>> -> memref<200x128xf32, #tpu.memory_space<hbm>>
    %dma_start3A_94 = arith.constant 0 : i32
    %dma_start3A_95 = tpu.memref_slice %arg4[%add3A_91, %dma_start3A_94] : memref<819200x128xf32, #tpu.memory_space<hbm>> -> memref<200x128xf32, #tpu.memory_space<hbm>>
    tpu.enqueue_dma source(%arg6 : memref<200x128xf32, #tpu.memory_space<vmem>>) target(%dma_start3A_95 : memref<200x128xf32, #tpu.memory_space<hbm>>) target_semaphore(%arg12 : memref<!tpu.dma_semaphore, #tpu.memory_space<semaphore_mem>>)
    %dma_wait3A_96 = arith.constant 1 : i32
    %dma_wait3A_97 = arith.constant 0 : i32
    %dma_wait3A_98 = arith.constant 0 : i32
    %dma_wait3A_99 = tpu.memref_slice %arg5[%dma_wait3A_96, %dma_wait3A_97, %dma_wait3A_98] : memref<2x2x100xi32, #tpu.memory_space<vmem>> -> memref<1x2x100xi32, #tpu.memory_space<vmem>>
    %dma_wait3A_100 = tpu.memref_squeeze %dma_wait3A_99 : memref<1x2x100xi32, #tpu.memory_space<vmem>> -> memref<2x100xi32, #tpu.memory_space<vmem>>
    %dma_wait3A_101 = arith.constant 0 : i32
    %dma_wait3A_102 = tpu.memref_slice %arg2[%mul3A_4, %dma_wait3A_101] : memref<8192x100xi32, #tpu.memory_space<hbm>> -> memref<2x100xi32, #tpu.memory_space<hbm>>
    %dma_wait3A_103 = arith.constant 0 : i32
    %dma_wait3A_104 = arith.constant 0 : i32
    %dma_wait3A_105 = tpu.memref_slice %arg5[%dma_wait3A_96, %dma_wait3A_103, %dma_wait3A_104] : memref<2x2x100xi32, #tpu.memory_space<vmem>> -> memref<1x2x100xi32, #tpu.memory_space<vmem>>
    %dma_wait3A_106 = tpu.memref_squeeze %dma_wait3A_105 : memref<1x2x100xi32, #tpu.memory_space<vmem>> -> memref<2x100xi32, #tpu.memory_space<vmem>>
    %dma_wait3A_107 = arith.constant 0 : i32
    %dma_wait3A_108 = tpu.memref_slice %arg2[%mul3A_4, %dma_wait3A_107] : memref<8192x100xi32, #tpu.memory_space<hbm>> -> memref<2x100xi32, #tpu.memory_space<hbm>>
    tpu.wait_dma2 semaphore(%arg9 : memref<!tpu.dma_semaphore, #tpu.memory_space<semaphore_mem>>) src(%dma_wait3A_108 : memref<2x100xi32, #tpu.memory_space<hbm>>) dst(%dma_wait3A_106 : memref<2x100xi32, #tpu.memory_space<vmem>>)
    %add3A_109 = arith.constant 4 : i32
    %add3A_110 = arith.addi %mul3A_4, %add3A_109 : i32
    %dma_start3A_111 = arith.constant 0 : i32
    %dma_start3A_112 = arith.constant 0 : i32
    %dma_start3A_113 = arith.constant 0 : i32
    %dma_start3A_114 = tpu.memref_slice %arg5[%dma_start3A_111, %dma_start3A_112, %dma_start3A_113] : memref<2x2x100xi32, #tpu.memory_space<vmem>> -> memref<1x2x100xi32, #tpu.memory_space<vmem>>
    %dma_start3A_115 = tpu.memref_squeeze %dma_start3A_114 : memref<1x2x100xi32, #tpu.memory_space<vmem>> -> memref<2x100xi32, #tpu.memory_space<vmem>>
    %dma_start3A_116 = arith.constant 0 : i32
    %dma_start3A_117 = tpu.memref_slice %arg2[%add3A_110, %dma_start3A_116] : memref<8192x100xi32, #tpu.memory_space<hbm>> -> memref<2x100xi32, #tpu.memory_space<hbm>>
    %dma_start3A_118 = arith.constant 0 : i32
    %dma_start3A_119 = arith.constant 0 : i32
    %dma_start3A_120 = tpu.memref_slice %arg5[%dma_start3A_111, %dma_start3A_118, %dma_start3A_119] : memref<2x2x100xi32, #tpu.memory_space<vmem>> -> memref<1x2x100xi32, #tpu.memory_space<vmem>>
    %dma_start3A_121 = tpu.memref_squeeze %dma_start3A_120 : memref<1x2x100xi32, #tpu.memory_space<vmem>> -> memref<2x100xi32, #tpu.memory_space<vmem>>
    %dma_start3A_122 = arith.constant 0 : i32
    %dma_start3A_123 = tpu.memref_slice %arg2[%add3A_110, %dma_start3A_122] : memref<8192x100xi32, #tpu.memory_space<hbm>> -> memref<2x100xi32, #tpu.memory_space<hbm>>
    tpu.enqueue_dma source(%dma_start3A_123 : memref<2x100xi32, #tpu.memory_space<hbm>>) target(%dma_start3A_121 : memref<2x100xi32, #tpu.memory_space<vmem>>) target_semaphore(%arg9 : memref<!tpu.dma_semaphore, #tpu.memory_space<semaphore_mem>>)
    %dma_start3A_124 = arith.constant 1 : i32
    %dma_start3A_125 = arith.constant 0 : i32
    %dma_start3A_126 = arith.constant 0 : i32
    %dma_start3A_127 = arith.constant 0 : i32
    %dma_start3A_128 = tpu.memref_slice %arg7[%dma_start3A_126, %dma_start3A_127] : memref<200x128xf32, #tpu.memory_space<vmem>> -> memref<100x128xf32, #tpu.memory_space<vmem>>
    %dma_start3A_129 = arith.constant 0 : i32
    %dma_start3A_130 = arith.constant 0 : i32
    %dma_start3A_131 = tpu.memref_slice %arg5[%dma_start3A_124, %dma_start3A_129, %dma_start3A_130] : memref<2x2x100xi32, #tpu.memory_space<vmem>> -> memref<1x2x100xi32, #tpu.memory_space<vmem>>
    %dma_start3A_132 = tpu.memref_squeeze %dma_start3A_131 : memref<1x2x100xi32, #tpu.memory_space<vmem>> -> memref<2x100xi32, #tpu.memory_space<vmem>>
    %dma_start3A_133 = arith.constant 0 : i32
    %dma_start3A_134 = tpu.memref_slice %dma_start3A_132[%dma_start3A_125, %dma_start3A_133] : memref<2x100xi32, #tpu.memory_space<vmem>> -> memref<1x100xi32, #tpu.memory_space<vmem>>
    %dma_start3A_135 = tpu.memref_squeeze %dma_start3A_134 : memref<1x100xi32, #tpu.memory_space<vmem>> -> memref<100xi32, #tpu.memory_space<vmem>>
    %dma_start3A_136 = arith.constant 0 : i32
    %dma_start3A_137 = arith.constant 0 : i32
    %dma_start3A_138 = tpu.memref_slice %arg3[%dma_start3A_136, %dma_start3A_137] : memref<8192x128xf32, #tpu.memory_space<hbm>> -> memref<8192x128xf32, #tpu.memory_space<hbm>>
    tpu.enqueue_indirect_dma source(%dma_start3A_138 : memref<8192x128xf32, #tpu.memory_space<hbm>>) target(%dma_start3A_128 : memref<100x128xf32, #tpu.memory_space<vmem>>) offsets(%dma_start3A_135 : memref<100xi32, #tpu.memory_space<vmem>>) semaphore(%arg11 : memref<!tpu.dma_semaphore, #tpu.memory_space<semaphore_mem>>)
    %dma_start3A_139 = arith.constant 1 : i32
    %dma_start3A_140 = arith.constant 1 : i32
    %dma_start3A_141 = arith.constant 100 : i32
    %dma_start3A_142 = arith.constant 0 : i32
    %dma_start3A_143 = tpu.memref_slice %arg7[%dma_start3A_141, %dma_start3A_142] : memref<200x128xf32, #tpu.memory_space<vmem>> -> memref<100x128xf32, #tpu.memory_space<vmem>>
    %dma_start3A_144 = arith.constant 0 : i32
    %dma_start3A_145 = arith.constant 0 : i32
    %dma_start3A_146 = tpu.memref_slice %arg5[%dma_start3A_139, %dma_start3A_144, %dma_start3A_145] : memref<2x2x100xi32, #tpu.memory_space<vmem>> -> memref<1x2x100xi32, #tpu.memory_space<vmem>>
    %dma_start3A_147 = tpu.memref_squeeze %dma_start3A_146 : memref<1x2x100xi32, #tpu.memory_space<vmem>> -> memref<2x100xi32, #tpu.memory_space<vmem>>
    %dma_start3A_148 = arith.constant 0 : i32
    %dma_start3A_149 = tpu.memref_slice %dma_start3A_147[%dma_start3A_140, %dma_start3A_148] : memref<2x100xi32, #tpu.memory_space<vmem>> -> memref<1x100xi32, #tpu.memory_space<vmem>>
    %dma_start3A_150 = tpu.memref_squeeze %dma_start3A_149 : memref<1x100xi32, #tpu.memory_space<vmem>> -> memref<100xi32, #tpu.memory_space<vmem>>
    %dma_start3A_151 = arith.constant 0 : i32
    %dma_start3A_152 = arith.constant 0 : i32
    %dma_start3A_153 = tpu.memref_slice %arg3[%dma_start3A_151, %dma_start3A_152] : memref<8192x128xf32, #tpu.memory_space<hbm>> -> memref<8192x128xf32, #tpu.memory_space<hbm>>
    tpu.enqueue_indirect_dma source(%dma_start3A_153 : memref<8192x128xf32, #tpu.memory_space<hbm>>) target(%dma_start3A_143 : memref<100x128xf32, #tpu.memory_space<vmem>>) offsets(%dma_start3A_150 : memref<100xi32, #tpu.memory_space<vmem>>) semaphore(%arg11 : memref<!tpu.dma_semaphore, #tpu.memory_space<semaphore_mem>>)
    %dma_wait3A_154 = arith.constant 0 : i32
    %dma_wait3A_155 = arith.constant 0 : i32
    %dma_wait3A_156 = tpu.memref_slice %arg3[%dma_wait3A_154, %dma_wait3A_155] : memref<8192x128xf32, #tpu.memory_space<hbm>> -> memref<200x128xf32, #tpu.memory_space<hbm>>
    %dma_wait3A_157 = arith.constant 0 : i32
    %dma_wait3A_158 = arith.constant 0 : i32
    %dma_wait3A_159 = tpu.memref_slice %arg3[%dma_wait3A_157, %dma_wait3A_158] : memref<8192x128xf32, #tpu.memory_space<hbm>> -> memref<200x128xf32, #tpu.memory_space<hbm>>
    tpu.wait_dma2 semaphore(%arg11 : memref<!tpu.dma_semaphore, #tpu.memory_space<semaphore_mem>>) src(%dma_wait3A_159 : memref<200x128xf32, #tpu.memory_space<hbm>>) dst(%arg7 : memref<200x128xf32, #tpu.memory_space<vmem>>)
    %add3A_160 = arith.constant 200 : i32
    %add3A_161 = arith.addi %mul3A_6, %add3A_160 : i32
    %dma_start3A_162 = arith.constant 0 : i32
    %dma_start3A_163 = tpu.memref_slice %arg4[%add3A_161, %dma_start3A_162] : memref<819200x128xf32, #tpu.memory_space<hbm>> -> memref<200x128xf32, #tpu.memory_space<hbm>>
    %dma_start3A_164 = arith.constant 0 : i32
    %dma_start3A_165 = tpu.memref_slice %arg4[%add3A_161, %dma_start3A_164] : memref<819200x128xf32, #tpu.memory_space<hbm>> -> memref<200x128xf32, #tpu.memory_space<hbm>>
    tpu.enqueue_dma source(%arg7 : memref<200x128xf32, #tpu.memory_space<vmem>>) target(%dma_start3A_165 : memref<200x128xf32, #tpu.memory_space<hbm>>) target_semaphore(%arg13 : memref<!tpu.dma_semaphore, #tpu.memory_space<semaphore_mem>>)
    %dma_wait3A_166 = arith.constant 0 : i32
    %dma_wait3A_167 = arith.constant 0 : i32
    %dma_wait3A_168 = tpu.memref_slice %arg8[%dma_wait3A_166, %dma_wait3A_167] : memref<8192x128xf32, #tpu.memory_space<vmem_shared>> -> memref<512x128xf32, #tpu.memory_space<vmem_shared>>
    %dma_wait3A_169 = arith.constant 0 : i32
    %dma_wait3A_170 = arith.constant 0 : i32
    %dma_wait3A_171 = tpu.memref_slice %arg3[%dma_wait3A_169, %dma_wait3A_170] : memref<8192x128xf32, #tpu.memory_space<hbm>> -> memref<512x128xf32, #tpu.memory_space<hbm>>
    tpu.wait_dma2 semaphore(%arg10 : memref<!tpu.dma_semaphore, #tpu.memory_space<semaphore_mem>>) src(%dma_wait3A_171 : memref<512x128xf32, #tpu.memory_space<hbm>>) dst(%dma_wait3A_168 : memref<512x128xf32, #tpu.memory_space<vmem_shared>>)
    %barrier3A = arith.constant 0 : index
    tpu.barrier barrier_id(%barrier3A)
    %scan3A = arith.constant 1 : i32
    %scan3A_172 = arith.constant 63 : i32
    %scan3A_173 = arith.addi %scan3A, %scan3A_172 : i32
    %scan3A_174 = arith.constant 1 : i32
    scf.for %scan3A_184 = %scan3A to %scan3A_173 step %scan3A_174  : i32 {
      %mul3A_185 = arith.constant 2 : i32
      %mul3A_186 = arith.muli %scan3A_184, %mul3A_185 : i32
      %add3A_187 = arith.constant 0 : i32
      %add3A_188 = arith.addi %mul3A_186, %add3A_187 : i32
      %dma_wait3A_189 = arith.constant 0 : i32
      %dma_wait3A_190 = arith.constant 0 : i32
      %dma_wait3A_191 = arith.constant 0 : i32
      %dma_wait3A_192 = tpu.memref_slice %arg5[%dma_wait3A_189, %dma_wait3A_190, %dma_wait3A_191] : memref<2x2x100xi32, #tpu.memory_space<vmem>> -> memref<1x2x100xi32, #tpu.memory_space<vmem>>
      %dma_wait3A_193 = tpu.memref_squeeze %dma_wait3A_192 : memref<1x2x100xi32, #tpu.memory_space<vmem>> -> memref<2x100xi32, #tpu.memory_space<vmem>>
      %dma_wait3A_194 = arith.constant 0 : i32
      %dma_wait3A_195 = tpu.memref_slice %arg2[%mul3A_4, %dma_wait3A_194] : memref<8192x100xi32, #tpu.memory_space<hbm>> -> memref<2x100xi32, #tpu.memory_space<hbm>>
      %dma_wait3A_196 = arith.constant 0 : i32
      %dma_wait3A_197 = arith.constant 0 : i32
      %dma_wait3A_198 = tpu.memref_slice %arg5[%dma_wait3A_189, %dma_wait3A_196, %dma_wait3A_197] : memref<2x2x100xi32, #tpu.memory_space<vmem>> -> memref<1x2x100xi32, #tpu.memory_space<vmem>>
      %dma_wait3A_199 = tpu.memref_squeeze %dma_wait3A_198 : memref<1x2x100xi32, #tpu.memory_space<vmem>> -> memref<2x100xi32, #tpu.memory_space<vmem>>
      %dma_wait3A_200 = arith.constant 0 : i32
      %dma_wait3A_201 = tpu.memref_slice %arg2[%mul3A_4, %dma_wait3A_200] : memref<8192x100xi32, #tpu.memory_space<hbm>> -> memref<2x100xi32, #tpu.memory_space<hbm>>
      tpu.wait_dma2 semaphore(%arg9 : memref<!tpu.dma_semaphore, #tpu.memory_space<semaphore_mem>>) src(%dma_wait3A_201 : memref<2x100xi32, #tpu.memory_space<hbm>>) dst(%dma_wait3A_199 : memref<2x100xi32, #tpu.memory_space<vmem>>)
      %add3A_202 = arith.constant 1 : i32
      %add3A_203 = arith.addi %add3A_188, %add3A_202 : i32
      %lt3A = arith.constant 128 : i32
      %lt3A_204 = arith.cmpi slt, %add3A_203, %lt3A : i32
      %convert_element_type3A = arith.extui %lt3A_204 : i1 to i32
      %cond3A = arith.constant 0 : i32
      %cond3A_205 = arith.cmpi ne, %convert_element_type3A, %cond3A : i32
      scf.if %cond3A_205 {
        %add3A_324 = arith.constant 1 : i32
        %add3A_325 = arith.addi %add3A_188, %add3A_324 : i32
        %mul3A_326 = arith.constant 2 : i32
        %mul3A_327 = arith.muli %add3A_325, %mul3A_326 : i32
        %add3A_328 = arith.addi %mul3A_4, %mul3A_327 : i32
        %dma_start3A_329 = arith.constant 1 : i32
        %dma_start3A_330 = arith.constant 0 : i32
        %dma_start3A_331 = arith.constant 0 : i32
        %dma_start3A_332 = tpu.memref_slice %arg5[%dma_start3A_329, %dma_start3A_330, %dma_start3A_331] : memref<2x2x100xi32, #tpu.memory_space<vmem>> -> memref<1x2x100xi32, #tpu.memory_space<vmem>>
        %dma_start3A_333 = tpu.memref_squeeze %dma_start3A_332 : memref<1x2x100xi32, #tpu.memory_space<vmem>> -> memref<2x100xi32, #tpu.memory_space<vmem>>
        %dma_start3A_334 = arith.constant 0 : i32
        %dma_start3A_335 = tpu.memref_slice %arg2[%add3A_328, %dma_start3A_334] : memref<8192x100xi32, #tpu.memory_space<hbm>> -> memref<2x100xi32, #tpu.memory_space<hbm>>
        %dma_start3A_336 = arith.constant 0 : i32
        %dma_start3A_337 = arith.constant 0 : i32
        %dma_start3A_338 = tpu.memref_slice %arg5[%dma_start3A_329, %dma_start3A_336, %dma_start3A_337] : memref<2x2x100xi32, #tpu.memory_space<vmem>> -> memref<1x2x100xi32, #tpu.memory_space<vmem>>
        %dma_start3A_339 = tpu.memref_squeeze %dma_start3A_338 : memref<1x2x100xi32, #tpu.memory_space<vmem>> -> memref<2x100xi32, #tpu.memory_space<vmem>>
        %dma_start3A_340 = arith.constant 0 : i32
        %dma_start3A_341 = tpu.memref_slice %arg2[%add3A_328, %dma_start3A_340] : memref<8192x100xi32, #tpu.memory_space<hbm>> -> memref<2x100xi32, #tpu.memory_space<hbm>>
        tpu.enqueue_dma source(%dma_start3A_341 : memref<2x100xi32, #tpu.memory_space<hbm>>) target(%dma_start3A_339 : memref<2x100xi32, #tpu.memory_space<vmem>>) target_semaphore(%arg9 : memref<!tpu.dma_semaphore, #tpu.memory_space<semaphore_mem>>)
      } else {
      }
      %dma_wait3A_206 = arith.constant 0 : i32
      %dma_wait3A_207 = tpu.memref_slice %arg4[%mul3A_6, %dma_wait3A_206] : memref<819200x128xf32, #tpu.memory_space<hbm>> -> memref<200x128xf32, #tpu.memory_space<hbm>>
      %dma_wait3A_208 = arith.constant 0 : i32
      %dma_wait3A_209 = tpu.memref_slice %arg4[%mul3A_6, %dma_wait3A_208] : memref<819200x128xf32, #tpu.memory_space<hbm>> -> memref<200x128xf32, #tpu.memory_space<hbm>>
      tpu.wait_dma2 semaphore(%arg12 : memref<!tpu.dma_semaphore, #tpu.memory_space<semaphore_mem>>) src(%arg6 : memref<200x128xf32, #tpu.memory_space<vmem>>) dst(%dma_wait3A_209 : memref<200x128xf32, #tpu.memory_space<hbm>>)
      %dma_start3A_210 = arith.constant 0 : i32
      %dma_start3A_211 = arith.constant 0 : i32
      %dma_start3A_212 = arith.constant 0 : i32
      %dma_start3A_213 = arith.constant 0 : i32
      %dma_start3A_214 = tpu.memref_slice %arg6[%dma_start3A_212, %dma_start3A_213] : memref<200x128xf32, #tpu.memory_space<vmem>> -> memref<100x128xf32, #tpu.memory_space<vmem>>
      %dma_start3A_215 = arith.constant 0 : i32
      %dma_start3A_216 = arith.constant 0 : i32
      %dma_start3A_217 = tpu.memref_slice %arg5[%dma_start3A_210, %dma_start3A_215, %dma_start3A_216] : memref<2x2x100xi32, #tpu.memory_space<vmem>> -> memref<1x2x100xi32, #tpu.memory_space<vmem>>
      %dma_start3A_218 = tpu.memref_squeeze %dma_start3A_217 : memref<1x2x100xi32, #tpu.memory_space<vmem>> -> memref<2x100xi32, #tpu.memory_space<vmem>>
      %dma_start3A_219 = arith.constant 0 : i32
      %dma_start3A_220 = tpu.memref_slice %dma_start3A_218[%dma_start3A_211, %dma_start3A_219] : memref<2x100xi32, #tpu.memory_space<vmem>> -> memref<1x100xi32, #tpu.memory_space<vmem>>
      %dma_start3A_221 = tpu.memref_squeeze %dma_start3A_220 : memref<1x100xi32, #tpu.memory_space<vmem>> -> memref<100xi32, #tpu.memory_space<vmem>>
      %dma_start3A_222 = arith.constant 0 : i32
      %dma_start3A_223 = arith.constant 0 : i32
      %dma_start3A_224 = tpu.memref_slice %arg8[%dma_start3A_222, %dma_start3A_223] : memref<8192x128xf32, #tpu.memory_space<vmem_shared>> -> memref<8192x128xf32, #tpu.memory_space<vmem_shared>>
      tpu.enqueue_indirect_dma source(%dma_start3A_224 : memref<8192x128xf32, #tpu.memory_space<vmem_shared>>) target(%dma_start3A_214 : memref<100x128xf32, #tpu.memory_space<vmem>>) offsets(%dma_start3A_221 : memref<100xi32, #tpu.memory_space<vmem>>) semaphore(%arg11 : memref<!tpu.dma_semaphore, #tpu.memory_space<semaphore_mem>>)
      %dma_start3A_225 = arith.constant 0 : i32
      %dma_start3A_226 = arith.constant 1 : i32
      %dma_start3A_227 = arith.constant 100 : i32
      %dma_start3A_228 = arith.constant 0 : i32
      %dma_start3A_229 = tpu.memref_slice %arg6[%dma_start3A_227, %dma_start3A_228] : memref<200x128xf32, #tpu.memory_space<vmem>> -> memref<100x128xf32, #tpu.memory_space<vmem>>
      %dma_start3A_230 = arith.constant 0 : i32
      %dma_start3A_231 = arith.constant 0 : i32
      %dma_start3A_232 = tpu.memref_slice %arg5[%dma_start3A_225, %dma_start3A_230, %dma_start3A_231] : memref<2x2x100xi32, #tpu.memory_space<vmem>> -> memref<1x2x100xi32, #tpu.memory_space<vmem>>
      %dma_start3A_233 = tpu.memref_squeeze %dma_start3A_232 : memref<1x2x100xi32, #tpu.memory_space<vmem>> -> memref<2x100xi32, #tpu.memory_space<vmem>>
      %dma_start3A_234 = arith.constant 0 : i32
      %dma_start3A_235 = tpu.memref_slice %dma_start3A_233[%dma_start3A_226, %dma_start3A_234] : memref<2x100xi32, #tpu.memory_space<vmem>> -> memref<1x100xi32, #tpu.memory_space<vmem>>
      %dma_start3A_236 = tpu.memref_squeeze %dma_start3A_235 : memref<1x100xi32, #tpu.memory_space<vmem>> -> memref<100xi32, #tpu.memory_space<vmem>>
      %dma_start3A_237 = arith.constant 0 : i32
      %dma_start3A_238 = arith.constant 0 : i32
      %dma_start3A_239 = tpu.memref_slice %arg8[%dma_start3A_237, %dma_start3A_238] : memref<8192x128xf32, #tpu.memory_space<vmem_shared>> -> memref<8192x128xf32, #tpu.memory_space<vmem_shared>>
      tpu.enqueue_indirect_dma source(%dma_start3A_239 : memref<8192x128xf32, #tpu.memory_space<vmem_shared>>) target(%dma_start3A_229 : memref<100x128xf32, #tpu.memory_space<vmem>>) offsets(%dma_start3A_236 : memref<100xi32, #tpu.memory_space<vmem>>) semaphore(%arg11 : memref<!tpu.dma_semaphore, #tpu.memory_space<semaphore_mem>>)
      %dma_wait3A_240 = arith.constant 0 : i32
      %dma_wait3A_241 = arith.constant 0 : i32
      %dma_wait3A_242 = tpu.memref_slice %arg3[%dma_wait3A_240, %dma_wait3A_241] : memref<8192x128xf32, #tpu.memory_space<hbm>> -> memref<200x128xf32, #tpu.memory_space<hbm>>
      %dma_wait3A_243 = arith.constant 0 : i32
      %dma_wait3A_244 = arith.constant 0 : i32
      %dma_wait3A_245 = tpu.memref_slice %arg3[%dma_wait3A_243, %dma_wait3A_244] : memref<8192x128xf32, #tpu.memory_space<hbm>> -> memref<200x128xf32, #tpu.memory_space<hbm>>
      tpu.wait_dma2 semaphore(%arg11 : memref<!tpu.dma_semaphore, #tpu.memory_space<semaphore_mem>>) src(%dma_wait3A_245 : memref<200x128xf32, #tpu.memory_space<hbm>>) dst(%arg6 : memref<200x128xf32, #tpu.memory_space<vmem>>)
      %mul3A_246 = arith.constant 200 : i32
      %mul3A_247 = arith.muli %add3A_188, %mul3A_246 : i32
      %add3A_248 = arith.addi %mul3A_6, %mul3A_247 : i32
      %dma_start3A_249 = arith.constant 0 : i32
      %dma_start3A_250 = tpu.memref_slice %arg4[%add3A_248, %dma_start3A_249] : memref<819200x128xf32, #tpu.memory_space<hbm>> -> memref<200x128xf32, #tpu.memory_space<hbm>>
      %dma_start3A_251 = arith.constant 0 : i32
      %dma_start3A_252 = tpu.memref_slice %arg4[%add3A_248, %dma_start3A_251] : memref<819200x128xf32, #tpu.memory_space<hbm>> -> memref<200x128xf32, #tpu.memory_space<hbm>>
      tpu.enqueue_dma source(%arg6 : memref<200x128xf32, #tpu.memory_space<vmem>>) target(%dma_start3A_252 : memref<200x128xf32, #tpu.memory_space<hbm>>) target_semaphore(%arg12 : memref<!tpu.dma_semaphore, #tpu.memory_space<semaphore_mem>>)
      %mul3A_253 = arith.constant 2 : i32
      %mul3A_254 = arith.muli %scan3A_184, %mul3A_253 : i32
      %add3A_255 = arith.constant 1 : i32
      %add3A_256 = arith.addi %mul3A_254, %add3A_255 : i32
      %dma_wait3A_257 = arith.constant 1 : i32
      %dma_wait3A_258 = arith.constant 0 : i32
      %dma_wait3A_259 = arith.constant 0 : i32
      %dma_wait3A_260 = tpu.memref_slice %arg5[%dma_wait3A_257, %dma_wait3A_258, %dma_wait3A_259] : memref<2x2x100xi32, #tpu.memory_space<vmem>> -> memref<1x2x100xi32, #tpu.memory_space<vmem>>
      %dma_wait3A_261 = tpu.memref_squeeze %dma_wait3A_260 : memref<1x2x100xi32, #tpu.memory_space<vmem>> -> memref<2x100xi32, #tpu.memory_space<vmem>>
      %dma_wait3A_262 = arith.constant 0 : i32
      %dma_wait3A_263 = tpu.memref_slice %arg2[%mul3A_4, %dma_wait3A_262] : memref<8192x100xi32, #tpu.memory_space<hbm>> -> memref<2x100xi32, #tpu.memory_space<hbm>>
      %dma_wait3A_264 = arith.constant 0 : i32
      %dma_wait3A_265 = arith.constant 0 : i32
      %dma_wait3A_266 = tpu.memref_slice %arg5[%dma_wait3A_257, %dma_wait3A_264, %dma_wait3A_265] : memref<2x2x100xi32, #tpu.memory_space<vmem>> -> memref<1x2x100xi32, #tpu.memory_space<vmem>>
      %dma_wait3A_267 = tpu.memref_squeeze %dma_wait3A_266 : memref<1x2x100xi32, #tpu.memory_space<vmem>> -> memref<2x100xi32, #tpu.memory_space<vmem>>
      %dma_wait3A_268 = arith.constant 0 : i32
      %dma_wait3A_269 = tpu.memref_slice %arg2[%mul3A_4, %dma_wait3A_268] : memref<8192x100xi32, #tpu.memory_space<hbm>> -> memref<2x100xi32, #tpu.memory_space<hbm>>
      tpu.wait_dma2 semaphore(%arg9 : memref<!tpu.dma_semaphore, #tpu.memory_space<semaphore_mem>>) src(%dma_wait3A_269 : memref<2x100xi32, #tpu.memory_space<hbm>>) dst(%dma_wait3A_267 : memref<2x100xi32, #tpu.memory_space<vmem>>)
      %add3A_270 = arith.constant 1 : i32
      %add3A_271 = arith.addi %add3A_256, %add3A_270 : i32
      %lt3A_272 = arith.constant 128 : i32
      %lt3A_273 = arith.cmpi slt, %add3A_271, %lt3A_272 : i32
      %convert_element_type3A_274 = arith.extui %lt3A_273 : i1 to i32
      %cond3A_275 = arith.constant 0 : i32
      %cond3A_276 = arith.cmpi ne, %convert_element_type3A_274, %cond3A_275 : i32
      scf.if %cond3A_276 {
        %add3A_324 = arith.constant 1 : i32
        %add3A_325 = arith.addi %add3A_256, %add3A_324 : i32
        %mul3A_326 = arith.constant 2 : i32
        %mul3A_327 = arith.muli %add3A_325, %mul3A_326 : i32
        %add3A_328 = arith.addi %mul3A_4, %mul3A_327 : i32
        %dma_start3A_329 = arith.constant 0 : i32
        %dma_start3A_330 = arith.constant 0 : i32
        %dma_start3A_331 = arith.constant 0 : i32
        %dma_start3A_332 = tpu.memref_slice %arg5[%dma_start3A_329, %dma_start3A_330, %dma_start3A_331] : memref<2x2x100xi32, #tpu.memory_space<vmem>> -> memref<1x2x100xi32, #tpu.memory_space<vmem>>
        %dma_start3A_333 = tpu.memref_squeeze %dma_start3A_332 : memref<1x2x100xi32, #tpu.memory_space<vmem>> -> memref<2x100xi32, #tpu.memory_space<vmem>>
        %dma_start3A_334 = arith.constant 0 : i32
        %dma_start3A_335 = tpu.memref_slice %arg2[%add3A_328, %dma_start3A_334] : memref<8192x100xi32, #tpu.memory_space<hbm>> -> memref<2x100xi32, #tpu.memory_space<hbm>>
        %dma_start3A_336 = arith.constant 0 : i32
        %dma_start3A_337 = arith.constant 0 : i32
        %dma_start3A_338 = tpu.memref_slice %arg5[%dma_start3A_329, %dma_start3A_336, %dma_start3A_337] : memref<2x2x100xi32, #tpu.memory_space<vmem>> -> memref<1x2x100xi32, #tpu.memory_space<vmem>>
        %dma_start3A_339 = tpu.memref_squeeze %dma_start3A_338 : memref<1x2x100xi32, #tpu.memory_space<vmem>> -> memref<2x100xi32, #tpu.memory_space<vmem>>
        %dma_start3A_340 = arith.constant 0 : i32
        %dma_start3A_341 = tpu.memref_slice %arg2[%add3A_328, %dma_start3A_340] : memref<8192x100xi32, #tpu.memory_space<hbm>> -> memref<2x100xi32, #tpu.memory_space<hbm>>
        tpu.enqueue_dma source(%dma_start3A_341 : memref<2x100xi32, #tpu.memory_space<hbm>>) target(%dma_start3A_339 : memref<2x100xi32, #tpu.memory_space<vmem>>) target_semaphore(%arg9 : memref<!tpu.dma_semaphore, #tpu.memory_space<semaphore_mem>>)
      } else {
      }
      %dma_wait3A_277 = arith.constant 0 : i32
      %dma_wait3A_278 = tpu.memref_slice %arg4[%mul3A_6, %dma_wait3A_277] : memref<819200x128xf32, #tpu.memory_space<hbm>> -> memref<200x128xf32, #tpu.memory_space<hbm>>
      %dma_wait3A_279 = arith.constant 0 : i32
      %dma_wait3A_280 = tpu.memref_slice %arg4[%mul3A_6, %dma_wait3A_279] : memref<819200x128xf32, #tpu.memory_space<hbm>> -> memref<200x128xf32, #tpu.memory_space<hbm>>
      tpu.wait_dma2 semaphore(%arg13 : memref<!tpu.dma_semaphore, #tpu.memory_space<semaphore_mem>>) src(%arg7 : memref<200x128xf32, #tpu.memory_space<vmem>>) dst(%dma_wait3A_280 : memref<200x128xf32, #tpu.memory_space<hbm>>)
      %dma_start3A_281 = arith.constant 1 : i32
      %dma_start3A_282 = arith.constant 0 : i32
      %dma_start3A_283 = arith.constant 0 : i32
      %dma_start3A_284 = arith.constant 0 : i32
      %dma_start3A_285 = tpu.memref_slice %arg7[%dma_start3A_283, %dma_start3A_284] : memref<200x128xf32, #tpu.memory_space<vmem>> -> memref<100x128xf32, #tpu.memory_space<vmem>>
      %dma_start3A_286 = arith.constant 0 : i32
      %dma_start3A_287 = arith.constant 0 : i32
      %dma_start3A_288 = tpu.memref_slice %arg5[%dma_start3A_281, %dma_start3A_286, %dma_start3A_287] : memref<2x2x100xi32, #tpu.memory_space<vmem>> -> memref<1x2x100xi32, #tpu.memory_space<vmem>>
      %dma_start3A_289 = tpu.memref_squeeze %dma_start3A_288 : memref<1x2x100xi32, #tpu.memory_space<vmem>> -> memref<2x100xi32, #tpu.memory_space<vmem>>
      %dma_start3A_290 = arith.constant 0 : i32
      %dma_start3A_291 = tpu.memref_slice %dma_start3A_289[%dma_start3A_282, %dma_start3A_290] : memref<2x100xi32, #tpu.memory_space<vmem>> -> memref<1x100xi32, #tpu.memory_space<vmem>>
      %dma_start3A_292 = tpu.memref_squeeze %dma_start3A_291 : memref<1x100xi32, #tpu.memory_space<vmem>> -> memref<100xi32, #tpu.memory_space<vmem>>
      %dma_start3A_293 = arith.constant 0 : i32
      %dma_start3A_294 = arith.constant 0 : i32
      %dma_start3A_295 = tpu.memref_slice %arg8[%dma_start3A_293, %dma_start3A_294] : memref<8192x128xf32, #tpu.memory_space<vmem_shared>> -> memref<8192x128xf32, #tpu.memory_space<vmem_shared>>
      tpu.enqueue_indirect_dma source(%dma_start3A_295 : memref<8192x128xf32, #tpu.memory_space<vmem_shared>>) target(%dma_start3A_285 : memref<100x128xf32, #tpu.memory_space<vmem>>) offsets(%dma_start3A_292 : memref<100xi32, #tpu.memory_space<vmem>>) semaphore(%arg11 : memref<!tpu.dma_semaphore, #tpu.memory_space<semaphore_mem>>)
      %dma_start3A_296 = arith.constant 1 : i32
      %dma_start3A_297 = arith.constant 1 : i32
      %dma_start3A_298 = arith.constant 100 : i32
      %dma_start3A_299 = arith.constant 0 : i32
      %dma_start3A_300 = tpu.memref_slice %arg7[%dma_start3A_298, %dma_start3A_299] : memref<200x128xf32, #tpu.memory_space<vmem>> -> memref<100x128xf32, #tpu.memory_space<vmem>>
      %dma_start3A_301 = arith.constant 0 : i32
      %dma_start3A_302 = arith.constant 0 : i32
      %dma_start3A_303 = tpu.memref_slice %arg5[%dma_start3A_296, %dma_start3A_301, %dma_start3A_302] : memref<2x2x100xi32, #tpu.memory_space<vmem>> -> memref<1x2x100xi32, #tpu.memory_space<vmem>>
      %dma_start3A_304 = tpu.memref_squeeze %dma_start3A_303 : memref<1x2x100xi32, #tpu.memory_space<vmem>> -> memref<2x100xi32, #tpu.memory_space<vmem>>
      %dma_start3A_305 = arith.constant 0 : i32
      %dma_start3A_306 = tpu.memref_slice %dma_start3A_304[%dma_start3A_297, %dma_start3A_305] : memref<2x100xi32, #tpu.memory_space<vmem>> -> memref<1x100xi32, #tpu.memory_space<vmem>>
      %dma_start3A_307 = tpu.memref_squeeze %dma_start3A_306 : memref<1x100xi32, #tpu.memory_space<vmem>> -> memref<100xi32, #tpu.memory_space<vmem>>
      %dma_start3A_308 = arith.constant 0 : i32
      %dma_start3A_309 = arith.constant 0 : i32
      %dma_start3A_310 = tpu.memref_slice %arg8[%dma_start3A_308, %dma_start3A_309] : memref<8192x128xf32, #tpu.memory_space<vmem_shared>> -> memref<8192x128xf32, #tpu.memory_space<vmem_shared>>
      tpu.enqueue_indirect_dma source(%dma_start3A_310 : memref<8192x128xf32, #tpu.memory_space<vmem_shared>>) target(%dma_start3A_300 : memref<100x128xf32, #tpu.memory_space<vmem>>) offsets(%dma_start3A_307 : memref<100xi32, #tpu.memory_space<vmem>>) semaphore(%arg11 : memref<!tpu.dma_semaphore, #tpu.memory_space<semaphore_mem>>)
      %dma_wait3A_311 = arith.constant 0 : i32
      %dma_wait3A_312 = arith.constant 0 : i32
      %dma_wait3A_313 = tpu.memref_slice %arg3[%dma_wait3A_311, %dma_wait3A_312] : memref<8192x128xf32, #tpu.memory_space<hbm>> -> memref<200x128xf32, #tpu.memory_space<hbm>>
      %dma_wait3A_314 = arith.constant 0 : i32
      %dma_wait3A_315 = arith.constant 0 : i32
      %dma_wait3A_316 = tpu.memref_slice %arg3[%dma_wait3A_314, %dma_wait3A_315] : memref<8192x128xf32, #tpu.memory_space<hbm>> -> memref<200x128xf32, #tpu.memory_space<hbm>>
      tpu.wait_dma2 semaphore(%arg11 : memref<!tpu.dma_semaphore, #tpu.memory_space<semaphore_mem>>) src(%dma_wait3A_316 : memref<200x128xf32, #tpu.memory_space<hbm>>) dst(%arg7 : memref<200x128xf32, #tpu.memory_space<vmem>>)
      %mul3A_317 = arith.constant 200 : i32
      %mul3A_318 = arith.muli %add3A_256, %mul3A_317 : i32
      %add3A_319 = arith.addi %mul3A_6, %mul3A_318 : i32
      %dma_start3A_320 = arith.constant 0 : i32
      %dma_start3A_321 = tpu.memref_slice %arg4[%add3A_319, %dma_start3A_320] : memref<819200x128xf32, #tpu.memory_space<hbm>> -> memref<200x128xf32, #tpu.memory_space<hbm>>
      %dma_start3A_322 = arith.constant 0 : i32
      %dma_start3A_323 = tpu.memref_slice %arg4[%add3A_319, %dma_start3A_322] : memref<819200x128xf32, #tpu.memory_space<hbm>> -> memref<200x128xf32, #tpu.memory_space<hbm>>
      tpu.enqueue_dma source(%arg7 : memref<200x128xf32, #tpu.memory_space<vmem>>) target(%dma_start3A_323 : memref<200x128xf32, #tpu.memory_space<hbm>>) target_semaphore(%arg13 : memref<!tpu.dma_semaphore, #tpu.memory_space<semaphore_mem>>)
    }
    %scan3A_175 = arith.constant 63 : i32
    %dma_wait3A_176 = arith.constant 0 : i32
    %dma_wait3A_177 = tpu.memref_slice %arg4[%mul3A_6, %dma_wait3A_176] : memref<819200x128xf32, #tpu.memory_space<hbm>> -> memref<200x128xf32, #tpu.memory_space<hbm>>
    %dma_wait3A_178 = arith.constant 0 : i32
    %dma_wait3A_179 = tpu.memref_slice %arg4[%mul3A_6, %dma_wait3A_178] : memref<819200x128xf32, #tpu.memory_space<hbm>> -> memref<200x128xf32, #tpu.memory_space<hbm>>
    tpu.wait_dma2 semaphore(%arg12 : memref<!tpu.dma_semaphore, #tpu.memory_space<semaphore_mem>>) src(%arg6 : memref<200x128xf32, #tpu.memory_space<vmem>>) dst(%dma_wait3A_179 : memref<200x128xf32, #tpu.memory_space<hbm>>)
    %dma_wait3A_180 = arith.constant 0 : i32
    %dma_wait3A_181 = tpu.memref_slice %arg4[%mul3A_6, %dma_wait3A_180] : memref<819200x128xf32, #tpu.memory_space<hbm>> -> memref<200x128xf32, #tpu.memory_space<hbm>>
    %dma_wait3A_182 = arith.constant 0 : i32
    %dma_wait3A_183 = tpu.memref_slice %arg4[%mul3A_6, %dma_wait3A_182] : memref<819200x128xf32, #tpu.memory_space<hbm>> -> memref<200x128xf32, #tpu.memory_space<hbm>>
    tpu.wait_dma2 semaphore(%arg13 : memref<!tpu.dma_semaphore, #tpu.memory_space<semaphore_mem>>) src(%arg7 : memref<200x128xf32, #tpu.memory_space<vmem>>) dst(%dma_wait3A_183 : memref<200x128xf32, #tpu.memory_space<hbm>>)
    return
  }
}

</mosaic_0001>

<sc_bundles>
// kernel: kernel.3.cloned.1.call-start
scs
__scs_entry_jumppad:
0x0: {  	(pc) =	sbr.rel $0x88, $3  }
0x1: {  	(tag) =	ssettag $0x0;
	lr =	simm.s32 $0x1  }
0x2: {  	[smem:$0x3F9F] =	sst lr;
	_ =	strace $0xD0000000  }
0x3: {  	_ = 	snop  }
0x4: {  	_ = 	snop  }
0x5: {  	_ = 	snop  }
0x6: {  	_ = 	snop  }
0x7: {  	_ = 	snop  }
__scs_overlays_trampoline_lowered:
0x8: {  	[smem:$0x3FAE] =	sst s0  }
0x9: {  	[smem:$0x3FAF] =	sst s1  }
0xa: {  	[smem:$0x3FB0] =	sst s2  }
0xb: {  	[smem:$0x3FB1] =	sst s3  }
0xc: {  	[smem:$0x3FB2] =	sst s4  }
0xd: {  	[smem:$0x3FB3] =	sst s5  }
0xe: {  	[smem:$0x3FB4] =	sst s6  }
0xf: {  	[smem:$0x3FB5] =	sst s7  }
0x10: {  	[smem:$0x3FB6] =	sst s8  }
0x11: {  	[smem:$0x3FB7] =	sst s9;
	s0 =	simm.s32 @!p0 $0x0  }
0x12: {  	s1 =	sld [smem:$0x3F9D];
	s0 =	simm.s32 @p0 $0x1  }
0x13: {  	[smem:$0x3FB8] =	sst s0;
	s0 =	simm.s32 @!p1 $0x0  }
0x14: {  	s2 =	sld [smem:$0x3F9C];
	s0 =	simm.s32 @p1 $0x1  }
0x15: {  	[smem:$0x3FB9] =	sst s0;
	s0 =	simm.s32 @!p2 $0x0  }
0x16: {  	s3 =	sld [smem:$0x3FDB];
	s0 =	simm.s32 @p2 $0x1  }
0x17: {  	s4 =	simm.s32 $0x1BF5;
	[smem:$0x3FBB] =	sst s0  }
0x18: {  	s0 =	sld [smem:$0x3F9E];
	_ =	swait.ge [sflag:s4], $0x0  }
0x19: {  	s7 =	sld [smem:$0x3F9F]  }
0x1a: {  	s8 =	sadd.s32 $0xFFFFE003, lr  }
0x1b: {  	s9 =	sadd.s32 $0xFFFFFEF7, lr;
	s5 =	simm.s32 $0xFFFFFFFF;
	p2 =	slt.u32 s8, $0xFFFFF086  }
0x1c: {  	p1 =	slt.u32 s9, $0xF7A;
	s5 =	simm.s32 @!p2 $0x0  }
0x1d: {  	s5 =	simm.s32 @p1 $0x1;
	p0 =	seq.s32 s7, s2  }
0x1e: {  	s7 =	smul.u32 @!p0 $0xF7A, s2;
	p2 =	seq.s32 @!p0 s5, $0x0  }
0x1f: {  	s9 =	smul.u32 $0xF7A, s1;
	s8 =	simm.s32 @!p0 $0x1BF5;
	p2 =	por !p2, p0  }
0x20: {  	[sflag:s8] =	ssyncset.s32 @!p0 $0xFFFFF086;
	s6 =	sadd.s32 @!p0 s3, s7;
	s7 =	simm.s32 @!p0 $0x108  }
0x21: {  	s3 =	sadd.s32 s3, s9;
	s6 =	sadd.s32 @!p0 $0x88, s6;
	s7 =	simm.s32 @p2 $0x1082  }
0x22: {  	[simem:s7], [sflag:s8] =	dma.local @!p0 [hbm:s6], $0xF7A  }
0x23: {  	s9 =	sor.u32 $0xD0000000, s2;
	s6 =	simm.s32 $0x108;
	_ =	swait.ge @!p0 [sflag:s8], $0x0  }
0x24: {  	s3 =	sadd.s32 $0x88, s3;
	s6 =	simm.s32 @!p1 $0x1082;
	[sflag:s4] =	ssyncset.s32 $0xFFFFF086  }
0x25: {  	[simem:s6], [sflag:s4] =	dma.local [hbm:s3], $0xF7A  }
0x26: {  	[smem:$0x3F9F] =	sst s1;
	(tag) =	ssettag s2;
	_ =	strace s9  }
0x27: {  	s1 =	sld [smem:$0x3FAF]  }
0x28: {  	s2 =	sld [smem:$0x3FB0]  }
0x29: {  	s4 =	sld [smem:$0x3FB2]  }
0x2a: {  	p0 =	seq.s32 s5, $0x0;
	s5 =	sld [smem:$0x3FB3]  }
0x2b: {  	s6 =	sld [smem:$0x3FB4]  }
0x2c: {  	s7 =	sld [smem:$0x3FB5]  }
0x2d: {  	s3 =	simm.s32 $0x108;
	s8 =	sld [smem:$0x3FB6]  }
0x2e: {  	s3 =	simm.s32 @!p0 $0x1082;
	s9 =	sld [smem:$0x3FB7]  }
0x2f: {  	lr =	sadd.s32 s0, s3;
	s0 =	sld [smem:$0x3FAE]  }
0x30: {  	s3 =	sld [smem:$0x3FB1]  }
0x31: {  	[smem:$0x3FBA] =	sst s10  }
0x32: {  	s10 =	sld [smem:$0x3FB8];
	_ =	sdelay $0x3  }
0x33: {  	p0 =	seq.s32 s10, $0x1;
	s10 =	sld [smem:$0x3FBA];
	_ =	sdelay $0x3  }
0x34: {  	[smem:$0x3FBA] =	sst s10  }
0x35: {  	s10 =	sld [smem:$0x3FB9];
	_ =	sdelay $0x3  }
0x36: {  	p1 =	seq.s32 s10, $0x1;
	s10 =	sld [smem:$0x3FBA];
	_ =	sdelay $0x3  }
0x37: {  	[smem:$0x3FBA] =	sst s10  }
0x38: {  	s10 =	sld [smem:$0x3FBB]  }
0x39: {  	_ = 	snop;
	(pc) =	sbr.ind lr, $3  }
0x3a: {  	_ = 	snop  }
0x3b: {  	_ = 	snop  }
0x3c: {  	p2 =	seq.s32 s10, $0x1;
	s10 =	sld [smem:$0x3FBA]  }
0x3d: {  	_ =	shalt  }
0x3e: {  	_ =	shalt  }
0x3f: {  	_ =	shalt  }
0x40: {  	_ =	shalt  }
0x41: {  	_ =	shalt  }
0x42: {  	_ =	shalt  }
0x43: {  	_ =	shalt  }
0x44: {  	_ =	shalt  }
0x45: {  	_ =	shalt  }
0x46: {  	_ =	shalt  }
0x47: {  	_ =	shalt  }
0x48: {  	_ =	shalt  }
0x49: {  	_ =	shalt  }
0x4a: {  	_ =	shalt  }
0x4b: {  	_ =	shalt  }
0x4c: {  	_ =	shalt  }
0x4d: {  	_ =	shalt  }
0x4e: {  	_ =	shalt  }
0x4f: {  	_ =	shalt  }
0x50: {  	_ =	shalt  }
0x51: {  	_ =	shalt  }
0x52: {  	_ =	shalt  }
0x53: {  	_ =	shalt  }
0x54: {  	_ =	shalt  }
0x55: {  	_ =	shalt  }
0x56: {  	_ =	shalt  }
0x57: {  	_ =	shalt  }
0x58: {  	_ =	shalt  }
0x59: {  	_ =	shalt  }
0x5a: {  	_ =	shalt  }
0x5b: {  	_ =	shalt  }
0x5c: {  	_ =	shalt  }
0x5d: {  	_ =	shalt  }
0x5e: {  	_ =	shalt  }
0x5f: {  	_ =	shalt  }
0x60: {  	_ =	shalt  }
0x61: {  	_ =	shalt  }
0x62: {  	_ =	shalt  }
0x63: {  	_ =	shalt  }
0x64: {  	_ =	shalt  }
0x65: {  	_ =	shalt  }
0x66: {  	_ =	shalt  }
0x67: {  	_ =	shalt  }
0x68: {  	_ =	shalt  }
0x69: {  	_ =	shalt  }
0x6a: {  	_ =	shalt  }
0x6b: {  	_ =	shalt  }
0x6c: {  	_ =	shalt  }
0x6d: {  	_ =	shalt  }
0x6e: {  	_ =	shalt  }
0x6f: {  	_ =	shalt  }
0x70: {  	_ =	shalt  }
0x71: {  	_ =	shalt  }
0x72: {  	_ =	shalt  }
0x73: {  	_ =	shalt  }
0x74: {  	_ =	shalt  }
0x75: {  	_ =	shalt  }
0x76: {  	_ =	shalt  }
0x77: {  	_ =	shalt  }
0x78: {  	_ =	shalt  }
0x79: {  	_ =	shalt  }
0x7a: {  	_ =	shalt  }
0x7b: {  	_ =	shalt  }
0x7c: {  	_ =	shalt  }
0x7d: {  	_ =	shalt  }
0x7e: {  	_ =	shalt  }
0x7f: {  	_ =	shalt  }
0x80: {  	_ =	shalt  }
0x81: {  	_ =	shalt  }
0x82: {  	_ =	shalt  }
0x83: {  	_ =	shalt  }
0x84: {  	_ =	shalt  }
0x85: {  	_ =	shalt  }
0x86: {  	_ =	shalt  }
0x87: {  	_ =	shalt  }
.Lfunc_end0:
.L_simem_size_0:
called_computation_lowered:
.L_overlay_start_0:
0x88: {  	s2 =	sld [smem:$0x3FD9]  }
0x89: {  	s3 =	sld [smem:$0x3FFE];
	_ =	sdelay $0x1  }
0x8a: {  	s1 =	srdreg.scid  }
0x8b: {  	s0 =	sand.u32 $0x1, s1  }
0x8c: {  	s17 =	sshll.u32 s0, $0xA;
	s2 =	sadd.s32 s3, s2  }
0x8d: {  	s2 =	sadd.s32 s2, s17  }
0x8e: {  	[smem:$0x3FC6] =	sst s2  }
0x8f: {  	_ = 	snop  }
0x90: {  	s2 =	sld [smem:$0x3FC8]  }
0x91: {  	s18 =	sld [smem:$0x3FD0];
	(tm) =	ssettm $0x1  }
0x92: {  	s4 =	sld [smem:$0x3FFB];
	_ =	sdelay $0x3  }
0x93: {  	_ =	strace s4  }
0x94: {  	s4 =	sld [smem:$0x3FFC];
	_ =	sdelay $0x3  }
0x95: {  	_ =	strace s4  }
0x96: {  	s4 =	sld [smem:$0x3FFD];
	_ =	sdelay $0x3  }
0x97: {  	_ =	strace s4  }
0x98: {  	_ =	strace $0x8FFFFFFF  }
0x99: {  	s19 =	sld [smem:$0x3FDB];
	_ =	sdelay $0x1  }
0x9a: {  	s5 =	simm.s32 $_scs_section_size  }
0x9b: {  	s6 =	simm.s32 $_size__tile_overlayer_lowered;
	s7 =	simm.s32 $_tile_overlayer_lowered  }
0x9c: {  	s22 =	simm.s32 $0x1BFF;
	s21 =	sshll.u32 s7, $0x1;
	s4 =	sadd.s32 s5, s19  }
0x9d: {  	s8 =	simm.s32 $0x0;
	s20 =	sshll.u32 s6, $0x1;
	s6 =	sadd.s32 s21, s4  }
0x9e: {  	[timem:s8], [sflag:s22] =	dma.local [hbm:s6], s20  }
0x9f: {  	_ =	swait.ge [sflag:s22], s20  }
0xa0: {  	s5 =	ssub.s32 $0x0, s20;
	[sflag:s22] =	ssyncset.done $0x0  }
0xa1: {  	[sflag:s22] =	ssyncadd.s32 s5;
	_ =	sdelay $0x1  }
0xa2: {  	s23 =	simm.s32 $0x1B8B  }
0xa3: {  	_ =	swait.ge [sflag:s23], $0x1  }
0xa4: {  	[sflag:s23] =	ssyncset.done $0x0  }
0xa5: {  	s25 =	simm.s32 $0x1B8E;
	s24 =	sld [smem:$0x3FFE];
	[sflag:s23] =	ssyncadd.s32 $0xFFFFFFFF  }
0xa6: {  	s26 =	simm.s32 $execute0_lowered;
	[smem:$0x3FD2] =	sst s25  }
0xa7: {  	s6 =	sshll.u32 s26, $0x1;
	_ =	strace $0x80000046;
	[dreg:$0x1] =	wrdreg $0xFFFFFFFF  }
0xa8: {  	s28 =	simm.s32 $_size_execute0_lowered;
	s4 =	sadd.s32 s4, s6;
	[dreg:$0x0] =	wrdreg $0x0  }
0xa9: {  	s6 =	sshll.u32 s28, $0x1;
	[dreg:$0x2] =	wrdreg s4  }
0xaa: {  	[dreg:$0x3] =	wrdreg s6  }
0xab: {  	[dreg:$0x4] =	wrdreg $0xC0  }
0xac: {  	_ =	task [dreg:s8], $0x5FFFF  }
0xad: {  	[dreg:$0x1] =	wrdreg $0xFFFFFFFF  }
0xae: {  	[dreg:$0x0] =	wrdreg $0x60  }
0xaf: {  	[dreg:$0x2] =	wrdreg s24  }
0xb0: {  	[dreg:$0x3] =	wrdreg s2  }
0xb1: {  	[dreg:$0x4] =	wrdreg s18  }
0xb2: {  	[dreg:$0x5] =	wrdreg $0xCA000  }
0xb3: {  	[dreg:$0x6] =	wrdreg $0x9  }
0xb4: {  	_ =	task.clear_ibuf [dreg:s8], $0x7FFFF;
	_ =	strace $0x90000046  }
0xb5: {  	s29 =	simm.s32 $0x9;
	_ =	strace $0x80000048  }
0xb6: {  	_ =	swait.ge [sflag:s29], $0x1  }
0xb7: {  	[sflag:s29] =	ssyncadd.s32 $0xFFFFFFFF  }
0xb8: {  	_ =	strace $0x90000048  }
0xb9: {  	_ =	sfence  }
0xba: {  	s30 =	sld [smem:$0x0];
	_ =	sdelay $0x2  }
0xbb: {  	s31 =	sshll.u32 s1, $0xD;
	s1 =	sshrl.u32 s1, $0x2  }
0xbc: {  	s3 =	sand.u32 $0x4000, s31;
	s1 =	sadd.s32 s1, s30  }
0xbd: {  	s0 =	sor.u32 s3, s0;
	s1 =	sshll.u32 s1, $0x11  }
0xbe: {  	s0 =	sor.u32 s1, s0  }
0xbf: {  	s0 =	sadd.s32 $0x8F2B, s0  }
0xc0: {  	[sflag:s0] =	ssyncadd.remote.s32 $0x1  }
0xc1: {  	_ =	sfence.sel $0xFFFF  }
0xc2: {  	[dreg:$0x0] =	wrdreg $0xFFFFFFFF;
	(pc) =	sbr.abs _section_cstart, $3  }
0xc3: {  	[dreg:$0x1] =	wrdreg $0xFFFFFFFF  }
0xc4: {  	_ =	task.clear_ibuf [dreg:s8], $0x2FFFF;
	_ =	strace $0x9FFFFFFF  }
0xc5: {  	(tm) =	ssettm $0x7FFFFFFF  }
tec
execute0_lowered:
.L_overlay_start_1:
0x0: {  	(tag) =	ssettag $0x1  }
0x1: {  	s0 =	rddreg [dreg:$0x0]  }
0x2: {  	s1 =	rddreg [dreg:$0x1]  }
0x3: {  	s3 =	rddreg [dreg:$0x2]  }
0x4: {  	s2 =	rddreg [dreg:$0x3];
	s4 =	srdreg.scid  }
0x5: {  	s11 =	stileid.u32;
	s28 =	simm.s32 $0x9800;
	s29 =	simm.s32 $0x2  }
0x6: {  	s30 =	simm.s32 $0x4;
	s31 =	simm.s32 $0x80;
	s7 =	sand.u32 $0x1, s4  }
0x7: {  	s4 =	simm.s32 $0x0;
	s18 =	sshll.u32 s11, $0x10;
	s10 =	sshll.u32 s11, $0xD  }
0x8: {  	s19 =	sshll.u32 s11, $0x6;
	s24 =	smul.u32 $0x64000, s11;
	s25 =	sshll.u32 s11, $0xC  }
0x9: {  	s5 =	sshll.u32 s7, $0x4;
	[smem:$0x7FF] =	sst s4;
	s6 =	ssub.s32 $0x2, s7  }
0xa: {  	s10 =	sadd.s32 s1, s10;
	s23 =	smul.u32 $0x640000, s7;
	s7 =	sshll.u32 s7, $0x10  }
0xb: {  	s8 =	sor.u32 s11, s5;
	s5 =	sadd.s32 $0x400, s0;
	s17 =	sshrl.u32 s6, $0x1  }
0xc: {  	_ =	strace $0x80000047;
	[dreg:$0x6] =	wrdreg s10;
	s10 =	sor.u32 $0x1C02, s19  }
0xd: {  	s26 =	sor.u32 s25, s7;
	s19 =	simm.s32 $0x1;
	s25 =	simm.s32 $0x6600  }
0xe: {  	s9 =	sshll.u32 s8, $0xC;
	s0 =	ssub.s32 s6, s17;
	[dreg:$0x7] =	wrdreg s10  }
0xf: {  	s8 =	smul.u32 $0x64000, s8;
	[dreg:$0x5] =	wrdreg s26;
	s26 =	simm.s32 $0x180  }
0x10: {  	s6 =	sadd.s32 s5, s9;
	s9 =	sadd.s32 s18, s2;
	s13 =	smax.u32 s0, $0x1  }
0x11: {  	s20 =	sadd.s32 $0x20, s6;
	s10 =	sadd.s32 s3, s8;
	s21 =	sadd.s32 $0x40, s6  }
0x12: {  	s14 =	sadd.s32 $0xFE0, s6;
	s3 =	sadd.s32 s23, s3;
	[dreg:$0x8] =	wrdreg s20  }
0x13: {  	s18 =	sshrl.u32 s9, $0x3;
	s23 =	simm.s32 $0x3400;
	[dreg:$0x9] =	wrdreg s21  }
0x14: {  	s22 =	sadd.s32 $0xC80, s10;
	s15 =	sadd.s32 $0x62700, s10;
	s0 =	sadd.s32 s24, s3  }
0x15: {  	s16 =	sadd.s32 $0x63380, s10;
	s20 =	simm.s32 $0x100;
	s21 =	simm.s32 $0x64  }
0x16: {  	s24 =	simm.s32 $0x3;
	s3 =	simm.s32 $0x0;
	[dreg:$0xa] =	wrdreg s22  }
0x17: {  	s17 =	sadd.s32 $0x1900, s0;
	s22 =	simm.s32 $0x200;
	s0 =	simm.s32 $0x5  }
.LBB2_1:
0x18: {  	[tilespmem:s4], [sflag:$0x1] =	stream.linear.gather [hbm4b:s6+s4], $0x100, $0x38;
	[tilespmem:$0x1CA00] =	vst v63  }
0x19: {  	s7 =	rddreg [dreg:$0x6]  }
0x1a: {  	s8 =	rddreg [dreg:$0x7]  }
0x1b: {  	[spmem:s18], [sflag:s8] =	dma.local [hbm:s7], $0x2000  }
0x1c: {  	_ =	swait.ge [sflag:s19], $0x100  }
0x1d: {  	[sflag:s19] =	ssyncset.done $0x0  }
0x1e: {  	s9 =	rddreg [dreg:$0x8];
	[sflag:s19] =	ssyncadd.s32 $0xFFFFFF00  }
0x1f: {  	[tilespmem:s20], [sflag:$0x1] =	stream.linear.gather [hbm4b:s9+s4], $0x100, $0x38;
	[tilespmem:$0x1CA00] =	vst v63  }
0x20: {  	_ = 	snop  }
0x21: {  	[tilespmem:s22], [sflag:$0x3] =	stream.indirect.gather [hbm4b:s1+s21], $0x80, s4, s21, $0xb8;
	[tilespmem:$0x1CA00] =	vst v63  }
0x22: {  	_ = 	snop  }
0x23: {  	[tilespmem:s23], [sflag:$0x3] =	stream.indirect.gather [hbm4b:s1+s21], $0x80, s31, s21, $0xb8;
	[tilespmem:$0x1CA00] =	vst v63  }
0x24: {  	_ =	swait.ge [sflag:s24], $0x6400  }
0x25: {  	[sflag:s24] =	ssyncset.done $0x0  }
0x26: {  	[sflag:s24] =	ssyncadd.s32 $0xFFFF9C00  }
0x27: {  	[hbm4b:s10+s4] =	stream.linear.scatter [tilespmem:s22], [sflag:$0x4], $0x6400, $0x38;
	[tilespmem:$0x1CA00] =	vst v63  }
0x28: {  	_ =	swait.ge [sflag:s19], $0x100  }
0x29: {  	[sflag:s19] =	ssyncset.done $0x0  }
0x2a: {  	s11 =	rddreg [dreg:$0x9];
	[sflag:s19] =	ssyncadd.s32 $0xFFFFFF00  }
0x2b: {  	[tilespmem:s4], [sflag:$0x1] =	stream.linear.gather [hbm4b:s11+s4], $0x100, $0x38;
	[tilespmem:$0x1CA00] =	vst v63  }
0x2c: {  	_ = 	snop  }
0x2d: {  	[tilespmem:s25], [sflag:$0x3] =	stream.indirect.gather [hbm4b:s1+s21], $0x80, s20, s21, $0xb8;
	[tilespmem:$0x1CA00] =	vst v63  }
0x2e: {  	_ = 	snop  }
0x2f: {  	[tilespmem:s28], [sflag:$0x3] =	stream.indirect.gather [hbm4b:s1+s21], $0x80, s26, s21, $0xb8;
	[tilespmem:$0x1CA00] =	vst v63  }
0x30: {  	_ =	swait.ge [sflag:s24], $0x6400  }
0x31: {  	[sflag:s24] =	ssyncset.done $0x0  }
0x32: {  	s12 =	rddreg [dreg:$0xa];
	[sflag:s24] =	ssyncadd.s32 $0xFFFF9C00  }
0x33: {  	[hbm4b:s12+s4] =	stream.linear.scatter [tilespmem:s25], [sflag:$0x5], $0x6400, $0x38;
	[tilespmem:$0x1CA00] =	vst v63  }
0x34: {  	_ =	swait.ge [sflag:s29], $0x2000  }
0x35: {  	[sflag:s29] =	ssyncset.done $0x0  }
0x36: {  	[sflag:s29] =	ssyncadd.s32 $0xFFFFE000  }
0x37: {  	s8 =	simm.s32 $0x40;
	s9 =	simm.s32 $0x60;
	[bflag:$0x0] =	sbarrier.arrive $0xFFFF  }
0x38: {  	s7 =	sand.u32 $0xF80, s8;
	s8 =	sand.u32 $0x60, s9;
	_ =	swait.ge [sflag:s19], $0x100  }
0x39: {  	s7 =	sor.u32 s8, s7;
	[sflag:s19] =	ssyncset.done $0x0  }
0x3a: {  	s7 =	sadd.s32 s7, s6;
	[sflag:s19] =	ssyncadd.s32 $0xFFFFFF00  }
0x3b: {  	[tilespmem:s20], [sflag:$0x1] =	stream.linear.gather [hbm4b:s7+s4], $0x100, $0x38;
	[tilespmem:$0x1CA00] =	vst v63  }
0x3c: {  	_ =	swait.ge [sflag:s30], $0x6400  }
0x3d: {  	[sflag:s30] =	ssyncset.done $0x0  }
0x3e: {  	[sflag:s30] =	ssyncadd.s32 $0xFFFF9C00  }
0x3f: {  	[tilespmem:s22], [sflag:$0x3] =	stream.indirect.gather [spmem:s2], $0x80, s4, s21, $0xb8;
	[tilespmem:$0x1CA00] =	vst v63  }
0x40: {  	_ = 	snop  }
0x41: {  	[tilespmem:s23], [sflag:$0x3] =	stream.indirect.gather [spmem:s2], $0x80, s31, s21, $0xb8;
	[tilespmem:$0x1CA00] =	vst v63  }
0x42: {  	_ =	swait.ge [sflag:s24], $0x6400  }
0x43: {  	[sflag:s24] =	ssyncset.done $0x0  }
0x44: {  	[sflag:s24] =	ssyncadd.s32 $0xFFFF9C00  }
0x45: {  	[hbm4b:s17+s4] =	stream.linear.scatter [tilespmem:s22], [sflag:$0x4], $0x6400, $0x38;
	[tilespmem:$0x1CA00] =	vst v63  }
0x46: {  	_ =	swait.ge [sflag:s19], $0x100  }
0x47: {  	s11 =	rddreg [dreg:$0x5]  }
0x48: {  	s12 =	sand.u32 $0x40, s31;
	s7 =	sadd.s32 $0x80, s11  }
0x49: {  	s8 =	sadd.s32 s5, s12;
	[sflag:s19] =	ssyncset.done $0x0;
	s7 =	sand.u32 $0x3FF80, s7  }
0x4a: {  	[sflag:s19] =	ssyncadd.s32 $0xFFFFFF00;
	s7 =	sadd.s32 s7, s8  }
0x4b: {  	[tilespmem:s4], [sflag:$0x1] =	stream.linear.gather [hbm4b:s7+s4], $0x100, $0x38;
	[tilespmem:$0x1CA00] =	vst v63  }
0x4c: {  	_ =	swait.ge [sflag:s0], $0x6400  }
0x4d: {  	[sflag:s0] =	ssyncset.done $0x0  }
0x4e: {  	[sflag:s0] =	ssyncadd.s32 $0xFFFF9C00  }
0x4f: {  	[tilespmem:s25], [sflag:$0x3] =	stream.indirect.gather [spmem:s2], $0x80, s20, s21, $0xb8;
	[tilespmem:$0x1CA00] =	vst v63  }
0x50: {  	_ = 	snop  }
0x51: {  	[tilespmem:s28], [sflag:$0x3] =	stream.indirect.gather [spmem:s2], $0x80, s26, s21, $0xb8;
	[tilespmem:$0x1CA00] =	vst v63  }
0x52: {  	_ =	swait.ge [sflag:s24], $0x6400  }
0x53: {  	s9 =	sadd.s32 $0xC80, s17;
	[sflag:s24] =	ssyncset.done $0x0  }
0x54: {  	s8 =	sadd.s32 $0x1900, s17;
	s7 =	simm.s32 $0xC0;
	[sflag:s24] =	ssyncadd.s32 $0xFFFF9C00  }
.LBB2_2:
0x55: {  	[hbm4b:s9+s4] =	stream.linear.scatter [tilespmem:s25], [sflag:$0x5], $0x6400, $0x38;
	[tilespmem:$0x1CA00] =	vst v63  }
0x56: {  	s11 =	sadd.s32 $0xFFFFFFC0, s7;
	s12 =	sadd.s32 $0xFFFFFFE0, s7  }
0x57: {  	_ =	swait.ge [sflag:s19], $0x100;
	s11 =	sand.u32 $0xF80, s11;
	s12 =	sand.u32 $0x60, s12  }
0x58: {  	[sflag:s19] =	ssyncset.done $0x0;
	s11 =	sor.u32 s12, s11  }
0x59: {  	[sflag:s19] =	ssyncadd.s32 $0xFFFFFF00;
	s11 =	sadd.s32 s11, s6  }
0x5a: {  	[tilespmem:s20], [sflag:$0x1] =	stream.linear.gather [hbm4b:s11+s4], $0x100, $0x38;
	[tilespmem:$0x1CA00] =	vst v63  }
0x5b: {  	_ =	swait.ge [sflag:s30], $0x6400  }
0x5c: {  	[sflag:s30] =	ssyncset.done $0x0  }
0x5d: {  	[sflag:s30] =	ssyncadd.s32 $0xFFFF9C00  }
0x5e: {  	[tilespmem:s22], [sflag:$0x3] =	stream.indirect.gather [spmem:s2], $0x80, s4, s21, $0xb8;
	[tilespmem:$0x1CA00] =	vst v63  }
0x5f: {  	_ = 	snop  }
0x60: {  	[tilespmem:s23], [sflag:$0x3] =	stream.indirect.gather [spmem:s2], $0x80, s31, s21, $0xb8;
	[tilespmem:$0x1CA00] =	vst v63  }
0x61: {  	_ =	swait.ge [sflag:s24], $0x6400  }
0x62: {  	[sflag:s24] =	ssyncset.done $0x0  }
0x63: {  	[sflag:s24] =	ssyncadd.s32 $0xFFFF9C00  }
0x64: {  	[hbm4b:s8+s4] =	stream.linear.scatter [tilespmem:s22], [sflag:$0x4], $0x6400, $0x38;
	[tilespmem:$0x1CA00] =	vst v63  }
0x65: {  	_ =	swait.ge [sflag:s19], $0x100  }
0x66: {  	s9 =	smov.u32 s7;
	s12 =	rddreg [dreg:$0x5]  }
0x67: {  	s11 =	sadd.s32 s9, s12;
	s9 =	sand.u32 $0x40, s9  }
0x68: {  	[sflag:s19] =	ssyncset.done $0x0;
	s11 =	sand.u32 $0x3FF80, s11;
	s9 =	sadd.s32 s5, s9  }
0x69: {  	[sflag:s19] =	ssyncadd.s32 $0xFFFFFF00;
	s9 =	sadd.s32 s11, s9  }
0x6a: {  	[tilespmem:s4], [sflag:$0x1] =	stream.linear.gather [hbm4b:s9+s4], $0x100, $0x38;
	[tilespmem:$0x1CA00] =	vst v63  }
0x6b: {  	_ =	swait.ge [sflag:s0], $0x6400  }
0x6c: {  	[sflag:s0] =	ssyncset.done $0x0  }
0x6d: {  	p0 =	sne.s32 s7, $0xFC0;
	[sflag:s0] =	ssyncadd.s32 $0xFFFF9C00  }
0x6e: {  	[tilespmem:s25], [sflag:$0x3] =	stream.indirect.gather [spmem:s2], $0x80, s20, s21, $0xb8;
	[tilespmem:$0x1CA00] =	vst v63  }
.Ltmp0:
0x6f: {  	_ = 	snop;
	(pc) =	sbr.rel @p0 .LBB2_2-.Ltmp0, $4  }
0x70: {  	[tilespmem:s28], [sflag:$0x3] =	stream.indirect.gather [spmem:s2], $0x80, s26, s21, $0xb8;
	[tilespmem:$0x1CA00] =	vst v63  }
0x71: {  	_ =	swait.ge [sflag:s24], $0x6400  }
0x72: {  	s7 =	sadd.s32 $0x40, s7;
	[sflag:s24] =	ssyncset.done $0x0  }
0x73: {  	s9 =	sadd.s32 $0xC80, s8;
	s8 =	sadd.s32 $0x1900, s8;
	[sflag:s24] =	ssyncadd.s32 $0xFFFF9C00  }
0x74: {  	[hbm4b:s9+s4] =	stream.linear.scatter [tilespmem:s25], [sflag:$0x5], $0x6400, $0x38;
	[tilespmem:$0x1CA00] =	vst v63  }
0x75: {  	_ =	swait.ge [sflag:s19], $0x100  }
0x76: {  	[sflag:s19] =	ssyncset.done $0x0  }
0x77: {  	[sflag:s19] =	ssyncadd.s32 $0xFFFFFF00  }
0x78: {  	[tilespmem:s20], [sflag:$0x1] =	stream.linear.gather [hbm4b:s14+s4], $0x100, $0x38;
	[tilespmem:$0x1CA00] =	vst v63  }
0x79: {  	_ =	swait.ge [sflag:s30], $0x6400  }
0x7a: {  	[sflag:s30] =	ssyncset.done $0x0  }
0x7b: {  	[sflag:s30] =	ssyncadd.s32 $0xFFFF9C00  }
0x7c: {  	[tilespmem:s22], [sflag:$0x3] =	stream.indirect.gather [spmem:s2], $0x80, s4, s21, $0xb8;
	[tilespmem:$0x1CA00] =	vst v63  }
0x7d: {  	_ = 	snop  }
0x7e: {  	[tilespmem:s23], [sflag:$0x3] =	stream.indirect.gather [spmem:s2], $0x80, s31, s21, $0xb8;
	[tilespmem:$0x1CA00] =	vst v63  }
0x7f: {  	_ =	swait.ge [sflag:s24], $0x6400  }
0x80: {  	[sflag:s24] =	ssyncset.done $0x0  }
0x81: {  	[sflag:s24] =	ssyncadd.s32 $0xFFFF9C00  }
0x82: {  	[hbm4b:s15+s4] =	stream.linear.scatter [tilespmem:s22], [sflag:$0x4], $0x6400, $0x38;
	[tilespmem:$0x1CA00] =	vst v63  }
0x83: {  	_ =	swait.ge [sflag:s19], $0x100  }
0x84: {  	[sflag:s19] =	ssyncset.done $0x0  }
0x85: {  	[sflag:s19] =	ssyncadd.s32 $0xFFFFFF00  }
0x86: {  	_ =	swait.ge [sflag:s0], $0x6400  }
0x87: {  	[sflag:s0] =	ssyncset.done $0x0  }
0x88: {  	[sflag:s0] =	ssyncadd.s32 $0xFFFF9C00  }
0x89: {  	[tilespmem:s25], [sflag:$0x3] =	stream.indirect.gather [spmem:s2], $0x80, s20, s21, $0xb8;
	[tilespmem:$0x1CA00] =	vst v63  }
0x8a: {  	_ = 	snop  }
0x8b: {  	[tilespmem:s28], [sflag:$0x3] =	stream.indirect.gather [spmem:s2], $0x80, s26, s21, $0xb8;
	[tilespmem:$0x1CA00] =	vst v63  }
0x8c: {  	_ =	swait.ge [sflag:s24], $0x6400  }
0x8d: {  	[sflag:s24] =	ssyncset.done $0x0  }
0x8e: {  	s3 =	sadd.s32 $0x1, s3;
	[sflag:s24] =	ssyncadd.s32 $0xFFFF9C00  }
0x8f: {  	[hbm4b:s16+s4] =	stream.linear.scatter [tilespmem:s25], [sflag:$0x5], $0x6400, $0x38;
	[tilespmem:$0x1CA00] =	vst v63  }
0x90: {  	p0 =	sne.s32 s3, s13;
	_ =	swait.ge [sflag:s30], $0x6400  }
.Ltmp1:
0x91: {  	[sflag:s30] =	ssyncset.done $0x0;
	(pc) =	sbr.rel @p0 .LBB2_1-.Ltmp1, $4  }
0x92: {  	[sflag:s30] =	ssyncadd.s32 $0xFFFF9C00  }
0x93: {  	_ =	swait.ge [sflag:s0], $0x6400  }
0x94: {  	[sflag:s0] =	ssyncset.done $0x0  }
0x95: {  	[sflag:s0] =	ssyncadd.s32 $0xFFFF9C00  }
0x96: {  	_ =	sfence.sel $0x180000  }
0x97: {  	[bflag:$0x0] =	sbarrier.arrive $0xFFFF  }
0x98: {  	_ =	strace $0x90000047  }
0x99: {  	s0 =	stileid.u32;
	[bflag:$0x2] =	sbarrier.arrive $0xFFFF  }
0x9a: {  	p0 =	sne.s32 s0, $0x0;
	s0 =	rddreg [dreg:$0x4]  }
0x9b: {  	s0 =	sadd.s32 @!p0 $0x100000, s0  }
0x9c: {  	[sflag:s0] =	ssyncadd.tile.s32 @!p0 $0x1;
	_ =	shalt  }
.Lfunc_end2:
_tile_overlayer_lowered:
.L_overlay_start_2:
0x9d: {  	(tag) =	ssettag $0x2  }
0x9e: {  	s0 =	rddreg [dreg:$0x0];
	s2 =	stileid.u32  }
0x9f: {  	s1 =	rddreg [dreg:$0x1];
	p0 =	sne.s32 s2, $0x0  }
0xa0: {  	s3 =	rddreg [dreg:$0x2];
	[bflag:$0x3] =	sbarrier.arrive $0xFFFF;
	s2 =	simm.s32 @!p0 $0x1C06  }
0xa1: {  	[timem:s3], [sflag:s2] =	dma.local @!p0 [hbm:s0], s1  }
0xa2: {  	s0 =	simm.s32 @!p0 $0x6  }
0xa3: {  	_ =	swait.ge @!p0 [sflag:s0], s1  }
0xa4: {  	s1 =	ssub.s32 @!p0 $0x0, s1;
	[sflag:s0] =	ssyncset.done @!p0 $0x0  }
0xa5: {  	[sflag:s0] =	ssyncadd.s32 @!p0 s1  }
0xa6: {  	[bflag:$0x3] =	sbarrier.arrive $0xFFFF  }
0xa7: {  	_ =	shalt  }

</sc_bundles>
